<compile_context>
chip_gen: v7x
topology: tpu7x:2x2x1
jax: 0.10.2.dev20260603
libtpu: 0.0.44.dev20260713+nightly
codegen_flags: <defaults>
</compile_context>

<pallas_src>
import functools

import jax
import jax.numpy as jnp
from jax import lax
from jax.experimental import pallas as pl
from jax.experimental.pallas import tpu as pltpu
from jax.experimental.pallas import tpu_sc as plsc

N, E, F, H, C = 10000, 320000, 128, 128, 40
NC, NS = 2, 16
CHUNK = 80
ROW_BLK = 2000
GRID = N // ROW_BLK


def _sc_mesh():
    return plsc.VectorSubcoreMesh(core_axis_name="c", subcore_axis_name="s")


N_PAD = 10240
HROWS = N_PAD // 128


def _sc_degree(dst, idrows, zeros_hist):
    per_sc = E // NC
    per_tile = per_sc // NS
    n_groups = per_tile // 16

    @functools.partial(
        pl.kernel,
        out_type=jax.ShapeDtypeStruct((NC, HROWS, 128), jnp.float32),
        mesh=_sc_mesh(),
        compiler_params=pltpu.CompilerParams(needs_layout_passes=False),
        scratch_types=[
            pltpu.VMEM((per_tile,), jnp.int32),
            pltpu.VMEM((HROWS,), jnp.int32),
            pltpu.VMEM((HROWS, 128), jnp.float32),
            pltpu.VMEM_SHARED((HROWS, 128), jnp.float32),
        ],
    )
    def kdeg(dst_hbm, idr_hbm, z_hbm, out_hbm, didx, idr_v, hist, acc):
        cid = lax.axis_index("c")
        sid = lax.axis_index("s")
        pltpu.sync_copy(z_hbm, hist)
        pltpu.sync_copy(idr_hbm, idr_v)
        base0 = cid * per_sc + sid * per_tile
        pltpu.sync_copy(dst_hbm.at[pl.ds(base0, per_tile)], didx)

        @pl.when(sid == 0)
        def _zero():
            pltpu.sync_copy(z_hbm, acc)

        plsc.subcore_barrier()
        ones = jnp.full((16,), 1.0, jnp.float32)

        def body(i, carry):
            v = didx[pl.ds(i * 16, 16)]
            plsc.addupdate_scatter(hist, [v >> 7, v & 127], ones)
            return carry

        lax.fori_loop(0, n_groups, body, 0)
        pltpu.sync_copy(hist, acc.at[idr_v], add=True)
        plsc.subcore_barrier()

        @pl.when(sid == 0)
        def _out():
            pltpu.sync_copy(acc, out_hbm.at[cid])

    return kdeg(dst, idrows, zeros_hist)


NBUF = 3


def _sc_aggregate(g, src3, dst3, zeros_stripe):
    per_sc = E // NC
    per_tile = per_sc // NS
    n_chunks = per_tile // CHUNK
    n_outer = n_chunks // NBUF
    n_tail = n_chunks - n_outer * NBUF
    stripe = ROW_BLK

    @functools.partial(
        pl.kernel,
        out_type=jax.ShapeDtypeStruct((NC, N, H), jnp.float32),
        mesh=_sc_mesh(),
        scratch_types=[
            pltpu.VMEM((per_tile,), jnp.int32),
            pltpu.VMEM((per_tile,), jnp.int32),
            pltpu.VMEM((NBUF, CHUNK, H), jnp.float32),
            pltpu.VMEM_SHARED((N, H), jnp.float32),
        ]
        + [pltpu.SemaphoreType.DMA] * NBUF,
    )
    def kagg(g_hbm, src_hbm, dst_hbm, z_hbm, out_hbm, sidx, didx, rows, acc, *sems):
        cid = lax.axis_index("c")
        sid = lax.axis_index("s")
        base0 = (cid * NS + sid) * per_tile
        pltpu.sync_copy(src_hbm.at[pl.ds(base0, per_tile)], sidx)
        pltpu.sync_copy(dst_hbm.at[pl.ds(base0, per_tile)], didx)

        @pl.when(sid < GRID)
        def _zero():
            pltpu.sync_copy(z_hbm, acc.at[pl.ds(sid * stripe, stripe)])

        plsc.subcore_barrier()

        def _chunk(j):
            return pl.ds(j * CHUNK, CHUNK)

        for b in range(NBUF):
            pltpu.async_copy(g_hbm.at[sidx.at[_chunk(b)]], rows.at[b], sems[b])

        def body(t, carry):
            j0 = t * NBUF
            for b in range(NBUF):
                j = j0 + b
                pltpu.make_async_copy(
                    g_hbm.at[sidx.at[_chunk(b)]], rows.at[b], sems[b]
                ).wait()
                pltpu.sync_copy(rows.at[b], acc.at[didx.at[_chunk(j)]], add=True)

                @pl.when(j + NBUF < n_chunks)
                def _refire():
                    pltpu.async_copy(
                        g_hbm.at[sidx.at[_chunk(j + NBUF)]], rows.at[b], sems[b]
                    )

            return carry

        lax.fori_loop(0, n_outer, body, 0)
        for b in range(n_tail):
            j = n_outer * NBUF + b
            pltpu.make_async_copy(
                g_hbm.at[sidx.at[_chunk(b)]], rows.at[b], sems[b]
            ).wait()
            pltpu.sync_copy(rows.at[b], acc.at[didx.at[_chunk(j)]], add=True)
        plsc.subcore_barrier()

        @pl.when(sid < GRID)
        def _out():
            pltpu.sync_copy(
                acc.at[pl.ds(sid * stripe, stripe)],
                out_hbm.at[cid].at[pl.ds(sid * stripe, stripe)],
            )

    return kagg(g, src3, dst3, zeros_stripe)


def _dinv_block(d0_ref, d1_ref):
    return lax.rsqrt(d0_ref[...] + d1_ref[...] + 1.0)


def _tc_g1_body(x_ref, w_ref, d0_ref, d1_ref, o_ref):
    dinv = _dinv_block(d0_ref, d1_ref)
    o_ref[...] = dinv * jnp.dot(
        x_ref[...], w_ref[...], preferred_element_type=jnp.float32
    )


def _tc_mid_body(agg_ref, g_ref, d0_ref, d1_ref, b_ref, w_ref, o_ref):
    dinv = _dinv_block(d0_ref, d1_ref)
    h = dinv * (agg_ref[0] + agg_ref[1] + g_ref[...]) + b_ref[...]
    h = jnp.maximum(h, 0.0)
    o_ref[...] = dinv * jnp.dot(h, w_ref[...], preferred_element_type=jnp.float32)


def _tc_final_body(agg_ref, g_ref, d0_ref, d1_ref, b_ref, wc_ref, bc_ref, o_ref):
    dinv = _dinv_block(d0_ref, d1_ref)
    h = dinv * (agg_ref[0] + agg_ref[1] + g_ref[...]) + b_ref[...]
    o_ref[...] = (
        jnp.dot(h, wc_ref[...], preferred_element_type=jnp.float32) + bc_ref[...]
    )


def _row_spec(width):
    return pl.BlockSpec((ROW_BLK, width), lambda i: (i, 0))


_D_SPEC = pl.BlockSpec((ROW_BLK, 1), lambda i: (i, 0))
_AGG_SPEC = pl.BlockSpec((NC, ROW_BLK, H), lambda i: (0, i, 0))
_FULL_W = pl.BlockSpec((F, H), lambda i: (0, 0))
_BIAS_SPEC = pl.BlockSpec((1, H), lambda i: (0, 0))


def _tc_g1(x, W1, d0, d1):
    return pl.pallas_call(
        _tc_g1_body,
        grid=(GRID,),
        in_specs=[_row_spec(F), _FULL_W, _D_SPEC, _D_SPEC],
        out_specs=_row_spec(H),
        out_shape=jax.ShapeDtypeStruct((N, H), jnp.float32),
    )(x, W1, d0, d1)


def _tc_mid(aggp, g1, d0, d1, b1, W2):
    return pl.pallas_call(
        _tc_mid_body,
        grid=(GRID,),
        in_specs=[_AGG_SPEC, _row_spec(H), _D_SPEC, _D_SPEC, _BIAS_SPEC, _FULL_W],
        out_specs=_row_spec(H),
        out_shape=jax.ShapeDtypeStruct((N, H), jnp.float32),
    )(aggp, g1, d0, d1, b1, W2)


def _tc_final(aggp, g2, d0, d1, b2, Wc, bc):
    return pl.pallas_call(
        _tc_final_body,
        grid=(GRID,),
        in_specs=[
            _AGG_SPEC,
            _row_spec(H),
            _D_SPEC,
            _D_SPEC,
            _BIAS_SPEC,
            pl.BlockSpec((H, C), lambda i: (0, 0)),
            pl.BlockSpec((1, C), lambda i: (0, 0)),
        ],
        out_specs=pl.BlockSpec((ROW_BLK, C), lambda i: (i, 0)),
        out_shape=jax.ShapeDtypeStruct((N, C), jnp.float32),
    )(aggp, g2, d0, d1, b2, Wc, bc)


def kernel(x, edge_index, W1, b1, W2, b2, Wc, bc):
    src = jnp.asarray(edge_index[0], jnp.int32)
    dst = jnp.asarray(edge_index[1], jnp.int32)

    zeros_h = jnp.zeros((ROW_BLK, H), jnp.float32)
    zeros_hist = jnp.zeros((HROWS, 128), jnp.float32)
    idrows = jnp.arange(HROWS, dtype=jnp.int32)

    b1r = b1.reshape(1, H)
    b2r = b2.reshape(1, H)

    degp = _sc_degree(dst, idrows, zeros_hist)
    degf = degp.reshape(NC, N_PAD)[:, :N]
    d0 = degf[0].reshape(N, 1)
    d1 = degf[1].reshape(N, 1)

    g1 = _tc_g1(x, W1, d0, d1)
    agg1 = _sc_aggregate(g1, src, dst, zeros_h)
    g2 = _tc_mid(agg1, g1, d0, d1, b1r, W2)
    agg2 = _sc_aggregate(g2, src, dst, zeros_h)
    return _tc_final(agg2, g2, d0, d1, b2r, Wc, bc.reshape(1, C))

# --- scband reference (transcript-rebuilt; emitter-appended) ---
"""Pipeline reference for scband-gcnnet-early-exit-24824910970945 (READ-ONLY COPY).

The authoritative reference and input builder live on the scoring server;
editing this copy changes nothing except your own understanding.
"""

import jax, jax.numpy as jnp
import numpy as np

N, E, F, H, C = 10000, 320000, 128, 128, 40


def gcn_conv(x, edge_index, W, b):
    n = x.shape[0]
    loops = jnp.arange(n)
    src = jnp.concatenate([edge_index[0], loops])
    dst = jnp.concatenate([edge_index[1], loops])
    deg = jax.ops.segment_sum(jnp.ones(src.shape[0], dtype=x.dtype), dst, num_segments=n)
    dinv = jnp.where(deg > 0, deg ** -0.5, 0.0)
    norm = dinv[src] * dinv[dst]
    h = x @ W
    msg = h[src] * norm[:, None]
    out = jax.ops.segment_sum(msg, dst, num_segments=n)
    return out + b


def setup_inputs(seed: int = 0) -> dict:
    key = jax.random.key(seed)
    ks = jax.random.split(key, 8)
    x = jax.random.normal(ks[0], (N, F), dtype=jnp.float32)
    edge_index = jax.random.randint(ks[1], (2, E), 0, N)
    W1 = jax.random.normal(ks[2], (F, H), dtype=jnp.float32) * (1.0 / np.sqrt(F))
    b1 = jnp.zeros((H,), dtype=jnp.float32)
    W2 = jax.random.normal(ks[3], (H, H), dtype=jnp.float32) * (1.0 / np.sqrt(H))
    b2 = jnp.zeros((H,), dtype=jnp.float32)
    Wc = jax.random.normal(ks[4], (H, C), dtype=jnp.float32) * (1.0 / np.sqrt(H))
    bc = jnp.zeros((C,), dtype=jnp.float32)
    return {"x": x, "edge_index": edge_index, "W1": W1, "b1": b1, "W2": W2, "b2": b2, "Wc": Wc, "bc": bc}


def reference(x, edge_index, W1, b1, W2, b2, Wc, bc):
    # K=2 GCN layers, relu between (dropout=None), then final linear classifier
    h = gcn_conv(x, edge_index, W1, b1)
    h = jax.nn.relu(h)
    h = gcn_conv(h, edge_index, W2, b2)
    logits = h @ Wc + bc
    return logits

if __name__ == "__main__":
    import jax
    _d = setup_inputs()
    print(jax.jit(kernel)(*tuple(_d.values())))

</pallas_src>

<mosaic_0001>
#map = affine_map<(d0, d1) -> (0, 0)>
#map1 = affine_map<(d0, d1) -> (0)>
#map2 = affine_map<(d0, d1) -> (0, 0, 0)>
module attributes {stable_mosaic.version = 14 : i64} {
  func.func @kagg(%arg0: i32, %arg1: i32, %arg2: memref<10000x128xf32, #tpu.memory_space<hbm>>, %arg3: memref<320000xi32, #tpu.memory_space<hbm>>, %arg4: memref<320000xi32, #tpu.memory_space<hbm>>, %arg5: memref<2000x128xf32, #tpu.memory_space<hbm>>, %arg6: memref<2x10000x128xf32, #tpu.memory_space<hbm>>, %arg7: memref<10000xi32, #tpu.memory_space<vmem>>, %arg8: memref<10000xi32, #tpu.memory_space<vmem>>, %arg9: memref<3x80x128xf32, #tpu.memory_space<vmem>>, %arg10: memref<10000x128xf32, #tpu.memory_space<vmem_shared>>, %arg11: memref<!tpu.dma_semaphore, #tpu.memory_space<semaphore_mem>>, %arg12: memref<!tpu.dma_semaphore, #tpu.memory_space<semaphore_mem>>, %arg13: memref<!tpu.dma_semaphore, #tpu.memory_space<semaphore_mem>>) attributes {dimension_semantics = [#tpu.dimension_semantics<core_parallel>, #tpu.dimension_semantics<subcore_parallel>], iteration_bounds = array<i64: 2, 16>, scalar_prefetch = 0 : i64, scratch_operands = 7 : i64, tpu.core_type = #tpu.core_type<sc_vector_subcore>, window_params = [{transform_indices = #map}, {transform_indices = #map1}, {transform_indices = #map1}, {transform_indices = #map}, {transform_indices = #map2}]} {
    %mul3A = arith.constant 16 : i32
    %mul3A_0 = arith.muli %arg0, %mul3A : i32
    %add3A = arith.addi %mul3A_0, %arg1 : i32
    %mul3A_1 = arith.constant 10000 : i32
    %mul3A_2 = arith.muli %add3A, %mul3A_1 : i32
    "tpu.region"() ({
      %run_scoped3A_65 = tpu.sem_alloc : memref<!tpu.dma_semaphore, #tpu.memory_space<semaphore_mem>>
      %dma_start3A_66 = tpu.memref_slice %arg3[%mul3A_2] : memref<320000xi32, #tpu.memory_space<hbm>> -> memref<10000xi32, #tpu.memory_space<hbm>>
      %dma_start3A_67 = tpu.memref_slice %arg3[%mul3A_2] : memref<320000xi32, #tpu.memory_space<hbm>> -> memref<10000xi32, #tpu.memory_space<hbm>>
      tpu.enqueue_dma source(%dma_start3A_67 : memref<10000xi32, #tpu.memory_space<hbm>>) target(%arg7 : memref<10000xi32, #tpu.memory_space<vmem>>) target_semaphore(%run_scoped3A_65 : memref<!tpu.dma_semaphore, #tpu.memory_space<semaphore_mem>>)
      %dma_wait3A_68 = tpu.memref_slice %arg3[%mul3A_2] : memref<320000xi32, #tpu.memory_space<hbm>> -> memref<10000xi32, #tpu.memory_space<hbm>>
      %dma_wait3A_69 = tpu.memref_slice %arg3[%mul3A_2] : memref<320000xi32, #tpu.memory_space<hbm>> -> memref<10000xi32, #tpu.memory_space<hbm>>
      tpu.wait_dma2 semaphore(%run_scoped3A_65 : memref<!tpu.dma_semaphore, #tpu.memory_space<semaphore_mem>>) src(%dma_wait3A_69 : memref<10000xi32, #tpu.memory_space<hbm>>) dst(%arg7 : memref<10000xi32, #tpu.memory_space<vmem>>)
      tpu.yield
    }) : () -> ()
    "tpu.region"() ({
      %run_scoped3A_65 = tpu.sem_alloc : memref<!tpu.dma_semaphore, #tpu.memory_space<semaphore_mem>>
      %dma_start3A_66 = tpu.memref_slice %arg4[%mul3A_2] : memref<320000xi32, #tpu.memory_space<hbm>> -> memref<10000xi32, #tpu.memory_space<hbm>>
      %dma_start3A_67 = tpu.memref_slice %arg4[%mul3A_2] : memref<320000xi32, #tpu.memory_space<hbm>> -> memref<10000xi32, #tpu.memory_space<hbm>>
      tpu.enqueue_dma source(%dma_start3A_67 : memref<10000xi32, #tpu.memory_space<hbm>>) target(%arg8 : memref<10000xi32, #tpu.memory_space<vmem>>) target_semaphore(%run_scoped3A_65 : memref<!tpu.dma_semaphore, #tpu.memory_space<semaphore_mem>>)
      %dma_wait3A_68 = tpu.memref_slice %arg4[%mul3A_2] : memref<320000xi32, #tpu.memory_space<hbm>> -> memref<10000xi32, #tpu.memory_space<hbm>>
      %dma_wait3A_69 = tpu.memref_slice %arg4[%mul3A_2] : memref<320000xi32, #tpu.memory_space<hbm>> -> memref<10000xi32, #tpu.memory_space<hbm>>
      tpu.wait_dma2 semaphore(%run_scoped3A_65 : memref<!tpu.dma_semaphore, #tpu.memory_space<semaphore_mem>>) src(%dma_wait3A_69 : memref<10000xi32, #tpu.memory_space<hbm>>) dst(%arg8 : memref<10000xi32, #tpu.memory_space<vmem>>)
      tpu.yield
    }) : () -> ()
    %lt3A = arith.constant 5 : i32
    %lt3A_3 = arith.cmpi slt, %arg1, %lt3A : i32
    %convert_element_type3A = arith.extui %lt3A_3 : i1 to i32
    %cond3A = arith.constant 0 : i32
    %cond3A_4 = arith.cmpi ne, %convert_element_type3A, %cond3A : i32
    scf.if %cond3A_4 {
      %mul3A_65 = arith.constant 2000 : i32
      %mul3A_66 = arith.muli %arg1, %mul3A_65 : i32
      "tpu.region"() ({
        %run_scoped3A_67 = tpu.sem_alloc : memref<!tpu.dma_semaphore, #tpu.memory_space<semaphore_mem>>
        %dma_start3A_68 = arith.constant 0 : i32
        %dma_start3A_69 = tpu.memref_slice %arg10[%mul3A_66, %dma_start3A_68] : memref<10000x128xf32, #tpu.memory_space<vmem_shared>> -> memref<2000x128xf32, #tpu.memory_space<vmem_shared>>
        tpu.enqueue_dma source(%arg5 : memref<2000x128xf32, #tpu.memory_space<hbm>>) target(%dma_start3A_69 : memref<2000x128xf32, #tpu.memory_space<vmem_shared>>) target_semaphore(%run_scoped3A_67 : memref<!tpu.dma_semaphore, #tpu.memory_space<semaphore_mem>>)
        %dma_wait3A_70 = arith.constant 0 : i32
        %dma_wait3A_71 = tpu.memref_slice %arg10[%mul3A_66, %dma_wait3A_70] : memref<10000x128xf32, #tpu.memory_space<vmem_shared>> -> memref<2000x128xf32, #tpu.memory_space<vmem_shared>>
        tpu.wait_dma2 semaphore(%run_scoped3A_67 : memref<!tpu.dma_semaphore, #tpu.memory_space<semaphore_mem>>) src(%arg5 : memref<2000x128xf32, #tpu.memory_space<hbm>>) dst(%dma_wait3A_71 : memref<2000x128xf32, #tpu.memory_space<vmem_shared>>)
        tpu.yield
      }) : () -> ()
    } else {
    }
    %barrier3A = arith.constant 0 : index
    tpu.barrier barrier_id(%barrier3A)
    %dma_start3A = arith.constant 0 : i32
    %dma_start3A_5 = arith.constant 0 : i32
    %dma_start3A_6 = arith.constant 0 : i32
    %dma_start3A_7 = tpu.memref_slice %arg9[%dma_start3A, %dma_start3A_5, %dma_start3A_6] : memref<3x80x128xf32, #tpu.memory_space<vmem>> -> memref<1x80x128xf32, #tpu.memory_space<vmem>>
    %dma_start3A_8 = tpu.memref_squeeze %dma_start3A_7 : memref<1x80x128xf32, #tpu.memory_space<vmem>> -> memref<80x128xf32, #tpu.memory_space<vmem>>
    %dma_start3A_9 = arith.constant 0 : i32
    %dma_start3A_10 = tpu.memref_slice %arg7[%dma_start3A_9] : memref<10000xi32, #tpu.memory_space<vmem>> -> memref<80xi32, #tpu.memory_space<vmem>>
    %dma_start3A_11 = arith.constant 0 : i32
    %dma_start3A_12 = arith.constant 0 : i32
    %dma_start3A_13 = tpu.memref_slice %arg2[%dma_start3A_11, %dma_start3A_12] : memref<10000x128xf32, #tpu.memory_space<hbm>> -> memref<10000x128xf32, #tpu.memory_space<hbm>>
    tpu.enqueue_indirect_dma source(%dma_start3A_13 : memref<10000x128xf32, #tpu.memory_space<hbm>>) target(%dma_start3A_8 : memref<80x128xf32, #tpu.memory_space<vmem>>) offsets(%dma_start3A_10 : memref<80xi32, #tpu.memory_space<vmem>>) semaphore(%arg11 : memref<!tpu.dma_semaphore, #tpu.memory_space<semaphore_mem>>)
    %dma_start3A_14 = arith.constant 1 : i32
    %dma_start3A_15 = arith.constant 0 : i32
    %dma_start3A_16 = arith.constant 0 : i32
    %dma_start3A_17 = tpu.memref_slice %arg9[%dma_start3A_14, %dma_start3A_15, %dma_start3A_16] : memref<3x80x128xf32, #tpu.memory_space<vmem>> -> memref<1x80x128xf32, #tpu.memory_space<vmem>>
    %dma_start3A_18 = tpu.memref_squeeze %dma_start3A_17 : memref<1x80x128xf32, #tpu.memory_space<vmem>> -> memref<80x128xf32, #tpu.memory_space<vmem>>
    %dma_start3A_19 = arith.constant 80 : i32
    %dma_start3A_20 = tpu.memref_slice %arg7[%dma_start3A_19] : memref<10000xi32, #tpu.memory_space<vmem>> -> memref<80xi32, #tpu.memory_space<vmem>>
    %dma_start3A_21 = arith.constant 0 : i32
    %dma_start3A_22 = arith.constant 0 : i32
    %dma_start3A_23 = tpu.memref_slice %arg2[%dma_start3A_21, %dma_start3A_22] : memref<10000x128xf32, #tpu.memory_space<hbm>> -> memref<10000x128xf32, #tpu.memory_space<hbm>>
    tpu.enqueue_indirect_dma source(%dma_start3A_23 : memref<10000x128xf32, #tpu.memory_space<hbm>>) target(%dma_start3A_18 : memref<80x128xf32, #tpu.memory_space<vmem>>) offsets(%dma_start3A_20 : memref<80xi32, #tpu.memory_space<vmem>>) semaphore(%arg12 : memref<!tpu.dma_semaphore, #tpu.memory_space<semaphore_mem>>)
    %dma_start3A_24 = arith.constant 2 : i32
    %dma_start3A_25 = arith.constant 0 : i32
    %dma_start3A_26 = arith.constant 0 : i32
    %dma_start3A_27 = tpu.memref_slice %arg9[%dma_start3A_24, %dma_start3A_25, %dma_start3A_26] : memref<3x80x128xf32, #tpu.memory_space<vmem>> -> memref<1x80x128xf32, #tpu.memory_space<vmem>>
    %dma_start3A_28 = tpu.memref_squeeze %dma_start3A_27 : memref<1x80x128xf32, #tpu.memory_space<vmem>> -> memref<80x128xf32, #tpu.memory_space<vmem>>
    %dma_start3A_29 = arith.constant 160 : i32
    %dma_start3A_30 = tpu.memref_slice %arg7[%dma_start3A_29] : memref<10000xi32, #tpu.memory_space<vmem>> -> memref<80xi32, #tpu.memory_space<vmem>>
    %dma_start3A_31 = arith.constant 0 : i32
    %dma_start3A_32 = arith.constant 0 : i32
    %dma_start3A_33 = tpu.memref_slice %arg2[%dma_start3A_31, %dma_start3A_32] : memref<10000x128xf32, #tpu.memory_space<hbm>> -> memref<10000x128xf32, #tpu.memory_space<hbm>>
    tpu.enqueue_indirect_dma source(%dma_start3A_33 : memref<10000x128xf32, #tpu.memory_space<hbm>>) target(%dma_start3A_28 : memref<80x128xf32, #tpu.memory_space<vmem>>) offsets(%dma_start3A_30 : memref<80xi32, #tpu.memory_space<vmem>>) semaphore(%arg13 : memref<!tpu.dma_semaphore, #tpu.memory_space<semaphore_mem>>)
    %scan3A = arith.constant 0 : i32
    %scan3A_34 = arith.constant 0 : i32
    %scan3A_35 = arith.constant 41 : i32
    %scan3A_36 = arith.addi %scan3A_34, %scan3A_35 : i32
    %scan3A_37 = arith.constant 1 : i32
    scf.for %scan3A_65 = %scan3A_34 to %scan3A_36 step %scan3A_37  : i32 {
      %mul3A_66 = arith.constant 3 : i32
      %mul3A_67 = arith.muli %scan3A_65, %mul3A_66 : i32
      %add3A_68 = arith.constant 0 : i32
      %add3A_69 = arith.addi %mul3A_67, %add3A_68 : i32
      %dma_wait3A_70 = arith.constant 0 : i32
      %dma_wait3A_71 = arith.constant 0 : i32
      %dma_wait3A_72 = arith.constant 0 : i32
      %dma_wait3A_73 = tpu.memref_slice %arg9[%dma_wait3A_70, %dma_wait3A_71, %dma_wait3A_72] : memref<3x80x128xf32, #tpu.memory_space<vmem>> -> memref<1x80x128xf32, #tpu.memory_space<vmem>>
      %dma_wait3A_74 = tpu.memref_squeeze %dma_wait3A_73 : memref<1x80x128xf32, #tpu.memory_space<vmem>> -> memref<80x128xf32, #tpu.memory_space<vmem>>
      %dma_wait3A_75 = arith.constant 0 : i32
      %dma_wait3A_76 = tpu.memref_slice %arg7[%dma_wait3A_75] : memref<10000xi32, #tpu.memory_space<vmem>> -> memref<80xi32, #tpu.memory_space<vmem>>
      %dma_wait3A_77 = arith.constant 0 : i32
      %dma_wait3A_78 = arith.constant 0 : i32
      %dma_wait3A_79 = tpu.memref_slice %arg2[%dma_wait3A_77, %dma_wait3A_78] : memref<10000x128xf32, #tpu.memory_space<hbm>> -> memref<10000x128xf32, #tpu.memory_space<hbm>>
      tpu.wait_indirect_dma semaphore(%arg11 : memref<!tpu.dma_semaphore, #tpu.memory_space<semaphore_mem>>) src(%dma_wait3A_79 : memref<10000x128xf32, #tpu.memory_space<hbm>>) dst(%dma_wait3A_74 : memref<80x128xf32, #tpu.memory_space<vmem>>)
      %mul3A_80 = arith.constant 80 : i32
      %mul3A_81 = arith.muli %add3A_69, %mul3A_80 : i32
      %run_scoped3A_82 = arith.constant 0 : i32
      "tpu.region"() ({
        %run_scoped3A_134 = tpu.sem_alloc : memref<!tpu.dma_semaphore, #tpu.memory_space<semaphore_mem>>
        %dma_start3A_135 = arith.constant 0 : i32
        %dma_start3A_136 = arith.constant 0 : i32
        %dma_start3A_137 = tpu.memref_slice %arg9[%run_scoped3A_82, %dma_start3A_135, %dma_start3A_136] : memref<3x80x128xf32, #tpu.memory_space<vmem>> -> memref<1x80x128xf32, #tpu.memory_space<vmem>>
        %dma_start3A_138 = tpu.memref_squeeze %dma_start3A_137 : memref<1x80x128xf32, #tpu.memory_space<vmem>> -> memref<80x128xf32, #tpu.memory_space<vmem>>
        %dma_start3A_139 = tpu.memref_slice %arg8[%mul3A_81] : memref<10000xi32, #tpu.memory_space<vmem>> -> memref<80xi32, #tpu.memory_space<vmem>>
        %dma_start3A_140 = arith.constant 0 : i32
        %dma_start3A_141 = arith.constant 0 : i32
        %dma_start3A_142 = tpu.memref_slice %arg10[%dma_start3A_140, %dma_start3A_141] : memref<10000x128xf32, #tpu.memory_space<vmem_shared>> -> memref<10000x128xf32, #tpu.memory_space<vmem_shared>>
        tpu.enqueue_indirect_dma source(%dma_start3A_138 : memref<80x128xf32, #tpu.memory_space<vmem>>) target(%dma_start3A_142 : memref<10000x128xf32, #tpu.memory_space<vmem_shared>>) offsets(%dma_start3A_139 : memref<80xi32, #tpu.memory_space<vmem>>) semaphore(%run_scoped3A_134 : memref<!tpu.dma_semaphore, #tpu.memory_space<semaphore_mem>>) {add = true}
        %dma_wait3A_143 = arith.constant 0 : i32
        %dma_wait3A_144 = arith.constant 0 : i32
        %dma_wait3A_145 = tpu.memref_slice %arg9[%run_scoped3A_82, %dma_wait3A_143, %dma_wait3A_144] : memref<3x80x128xf32, #tpu.memory_space<vmem>> -> memref<1x80x128xf32, #tpu.memory_space<vmem>>
        %dma_wait3A_146 = tpu.memref_squeeze %dma_wait3A_145 : memref<1x80x128xf32, #tpu.memory_space<vmem>> -> memref<80x128xf32, #tpu.memory_space<vmem>>
        %dma_wait3A_147 = tpu.memref_slice %arg8[%mul3A_81] : memref<10000xi32, #tpu.memory_space<vmem>> -> memref<80xi32, #tpu.memory_space<vmem>>
        %dma_wait3A_148 = arith.constant 0 : i32
        %dma_wait3A_149 = arith.constant 0 : i32
        %dma_wait3A_150 = tpu.memref_slice %arg10[%dma_wait3A_148, %dma_wait3A_149] : memref<10000x128xf32, #tpu.memory_space<vmem_shared>> -> memref<10000x128xf32, #tpu.memory_space<vmem_shared>>
        tpu.wait_indirect_dma semaphore(%run_scoped3A_134 : memref<!tpu.dma_semaphore, #tpu.memory_space<semaphore_mem>>) src(%dma_wait3A_146 : memref<80x128xf32, #tpu.memory_space<vmem>>) dst(%dma_wait3A_150 : memref<10000x128xf32, #tpu.memory_space<vmem_shared>>)
        tpu.yield
      }) : () -> ()
      %add3A_83 = arith.constant 3 : i32
      %add3A_84 = arith.addi %add3A_69, %add3A_83 : i32
      %lt3A_85 = arith.constant 125 : i32
      %lt3A_86 = arith.cmpi slt, %add3A_84, %lt3A_85 : i32
      %convert_element_type3A_87 = arith.extui %lt3A_86 : i1 to i32
      %cond3A_88 = arith.constant 0 : i32
      %cond3A_89 = arith.cmpi ne, %convert_element_type3A_87, %cond3A_88 : i32
      scf.if %cond3A_89 {
        %add3A_134 = arith.constant 3 : i32
        %add3A_135 = arith.addi %add3A_69, %add3A_134 : i32
        %mul3A_136 = arith.constant 80 : i32
        %mul3A_137 = arith.muli %add3A_135, %mul3A_136 : i32
        %dma_start3A_138 = arith.constant 0 : i32
        %dma_start3A_139 = arith.constant 0 : i32
        %dma_start3A_140 = arith.constant 0 : i32
        %dma_start3A_141 = tpu.memref_slice %arg9[%dma_start3A_138, %dma_start3A_139, %dma_start3A_140] : memref<3x80x128xf32, #tpu.memory_space<vmem>> -> memref<1x80x128xf32, #tpu.memory_space<vmem>>
        %dma_start3A_142 = tpu.memref_squeeze %dma_start3A_141 : memref<1x80x128xf32, #tpu.memory_space<vmem>> -> memref<80x128xf32, #tpu.memory_space<vmem>>
        %dma_start3A_143 = tpu.memref_slice %arg7[%mul3A_137] : memref<10000xi32, #tpu.memory_space<vmem>> -> memref<80xi32, #tpu.memory_space<vmem>>
        %dma_start3A_144 = arith.constant 0 : i32
        %dma_start3A_145 = arith.constant 0 : i32
        %dma_start3A_146 = tpu.memref_slice %arg2[%dma_start3A_144, %dma_start3A_145] : memref<10000x128xf32, #tpu.memory_space<hbm>> -> memref<10000x128xf32, #tpu.memory_space<hbm>>
        tpu.enqueue_indirect_dma source(%dma_start3A_146 : memref<10000x128xf32, #tpu.memory_space<hbm>>) target(%dma_start3A_142 : memref<80x128xf32, #tpu.memory_space<vmem>>) offsets(%dma_start3A_143 : memref<80xi32, #tpu.memory_space<vmem>>) semaphore(%arg11 : memref<!tpu.dma_semaphore, #tpu.memory_space<semaphore_mem>>)
      } else {
      }
      %add3A_90 = arith.constant 1 : i32
      %add3A_91 = arith.addi %mul3A_67, %add3A_90 : i32
      %dma_wait3A_92 = arith.constant 1 : i32
      %dma_wait3A_93 = arith.constant 0 : i32
      %dma_wait3A_94 = arith.constant 0 : i32
      %dma_wait3A_95 = tpu.memref_slice %arg9[%dma_wait3A_92, %dma_wait3A_93, %dma_wait3A_94] : memref<3x80x128xf32, #tpu.memory_space<vmem>> -> memref<1x80x128xf32, #tpu.memory_space<vmem>>
      %dma_wait3A_96 = tpu.memref_squeeze %dma_wait3A_95 : memref<1x80x128xf32, #tpu.memory_space<vmem>> -> memref<80x128xf32, #tpu.memory_space<vmem>>
      %dma_wait3A_97 = arith.constant 80 : i32
      %dma_wait3A_98 = tpu.memref_slice %arg7[%dma_wait3A_97] : memref<10000xi32, #tpu.memory_space<vmem>> -> memref<80xi32, #tpu.memory_space<vmem>>
      %dma_wait3A_99 = arith.constant 0 : i32
      %dma_wait3A_100 = arith.constant 0 : i32
      %dma_wait3A_101 = tpu.memref_slice %arg2[%dma_wait3A_99, %dma_wait3A_100] : memref<10000x128xf32, #tpu.memory_space<hbm>> -> memref<10000x128xf32, #tpu.memory_space<hbm>>
      tpu.wait_indirect_dma semaphore(%arg12 : memref<!tpu.dma_semaphore, #tpu.memory_space<semaphore_mem>>) src(%dma_wait3A_101 : memref<10000x128xf32, #tpu.memory_space<hbm>>) dst(%dma_wait3A_96 : memref<80x128xf32, #tpu.memory_space<vmem>>)
      %mul3A_102 = arith.constant 80 : i32
      %mul3A_103 = arith.muli %add3A_91, %mul3A_102 : i32
      %run_scoped3A_104 = arith.constant 1 : i32
      "tpu.region"() ({
        %run_scoped3A_134 = tpu.sem_alloc : memref<!tpu.dma_semaphore, #tpu.memory_space<semaphore_mem>>
        %dma_start3A_135 = arith.constant 0 : i32
        %dma_start3A_136 = arith.constant 0 : i32
        %dma_start3A_137 = tpu.memref_slice %arg9[%run_scoped3A_104, %dma_start3A_135, %dma_start3A_136] : memref<3x80x128xf32, #tpu.memory_space<vmem>> -> memref<1x80x128xf32, #tpu.memory_space<vmem>>
        %dma_start3A_138 = tpu.memref_squeeze %dma_start3A_137 : memref<1x80x128xf32, #tpu.memory_space<vmem>> -> memref<80x128xf32, #tpu.memory_space<vmem>>
        %dma_start3A_139 = tpu.memref_slice %arg8[%mul3A_103] : memref<10000xi32, #tpu.memory_space<vmem>> -> memref<80xi32, #tpu.memory_space<vmem>>
        %dma_start3A_140 = arith.constant 0 : i32
        %dma_start3A_141 = arith.constant 0 : i32
        %dma_start3A_142 = tpu.memref_slice %arg10[%dma_start3A_140, %dma_start3A_141] : memref<10000x128xf32, #tpu.memory_space<vmem_shared>> -> memref<10000x128xf32, #tpu.memory_space<vmem_shared>>
        tpu.enqueue_indirect_dma source(%dma_start3A_138 : memref<80x128xf32, #tpu.memory_space<vmem>>) target(%dma_start3A_142 : memref<10000x128xf32, #tpu.memory_space<vmem_shared>>) offsets(%dma_start3A_139 : memref<80xi32, #tpu.memory_space<vmem>>) semaphore(%run_scoped3A_134 : memref<!tpu.dma_semaphore, #tpu.memory_space<semaphore_mem>>) {add = true}
        %dma_wait3A_143 = arith.constant 0 : i32
        %dma_wait3A_144 = arith.constant 0 : i32
        %dma_wait3A_145 = tpu.memref_slice %arg9[%run_scoped3A_104, %dma_wait3A_143, %dma_wait3A_144] : memref<3x80x128xf32, #tpu.memory_space<vmem>> -> memref<1x80x128xf32, #tpu.memory_space<vmem>>
        %dma_wait3A_146 = tpu.memref_squeeze %dma_wait3A_145 : memref<1x80x128xf32, #tpu.memory_space<vmem>> -> memref<80x128xf32, #tpu.memory_space<vmem>>
        %dma_wait3A_147 = tpu.memref_slice %arg8[%mul3A_103] : memref<10000xi32, #tpu.memory_space<vmem>> -> memref<80xi32, #tpu.memory_space<vmem>>
        %dma_wait3A_148 = arith.constant 0 : i32
        %dma_wait3A_149 = arith.constant 0 : i32
        %dma_wait3A_150 = tpu.memref_slice %arg10[%dma_wait3A_148, %dma_wait3A_149] : memref<10000x128xf32, #tpu.memory_space<vmem_shared>> -> memref<10000x128xf32, #tpu.memory_space<vmem_shared>>
        tpu.wait_indirect_dma semaphore(%run_scoped3A_134 : memref<!tpu.dma_semaphore, #tpu.memory_space<semaphore_mem>>) src(%dma_wait3A_146 : memref<80x128xf32, #tpu.memory_space<vmem>>) dst(%dma_wait3A_150 : memref<10000x128xf32, #tpu.memory_space<vmem_shared>>)
        tpu.yield
      }) : () -> ()
      %add3A_105 = arith.constant 3 : i32
      %add3A_106 = arith.addi %add3A_91, %add3A_105 : i32
      %lt3A_107 = arith.constant 125 : i32
      %lt3A_108 = arith.cmpi slt, %add3A_106, %lt3A_107 : i32
      %convert_element_type3A_109 = arith.extui %lt3A_108 : i1 to i32
      %cond3A_110 = arith.constant 0 : i32
      %cond3A_111 = arith.cmpi ne, %convert_element_type3A_109, %cond3A_110 : i32
      scf.if %cond3A_111 {
        %add3A_134 = arith.constant 3 : i32
        %add3A_135 = arith.addi %add3A_91, %add3A_134 : i32
        %mul3A_136 = arith.constant 80 : i32
        %mul3A_137 = arith.muli %add3A_135, %mul3A_136 : i32
        %dma_start3A_138 = arith.constant 1 : i32
        %dma_start3A_139 = arith.constant 0 : i32
        %dma_start3A_140 = arith.constant 0 : i32
        %dma_start3A_141 = tpu.memref_slice %arg9[%dma_start3A_138, %dma_start3A_139, %dma_start3A_140] : memref<3x80x128xf32, #tpu.memory_space<vmem>> -> memref<1x80x128xf32, #tpu.memory_space<vmem>>
        %dma_start3A_142 = tpu.memref_squeeze %dma_start3A_141 : memref<1x80x128xf32, #tpu.memory_space<vmem>> -> memref<80x128xf32, #tpu.memory_space<vmem>>
        %dma_start3A_143 = tpu.memref_slice %arg7[%mul3A_137] : memref<10000xi32, #tpu.memory_space<vmem>> -> memref<80xi32, #tpu.memory_space<vmem>>
        %dma_start3A_144 = arith.constant 0 : i32
        %dma_start3A_145 = arith.constant 0 : i32
        %dma_start3A_146 = tpu.memref_slice %arg2[%dma_start3A_144, %dma_start3A_145] : memref<10000x128xf32, #tpu.memory_space<hbm>> -> memref<10000x128xf32, #tpu.memory_space<hbm>>
        tpu.enqueue_indirect_dma source(%dma_start3A_146 : memref<10000x128xf32, #tpu.memory_space<hbm>>) target(%dma_start3A_142 : memref<80x128xf32, #tpu.memory_space<vmem>>) offsets(%dma_start3A_143 : memref<80xi32, #tpu.memory_space<vmem>>) semaphore(%arg12 : memref<!tpu.dma_semaphore, #tpu.memory_space<semaphore_mem>>)
      } else {
      }
      %add3A_112 = arith.constant 2 : i32
      %add3A_113 = arith.addi %mul3A_67, %add3A_112 : i32
      %dma_wait3A_114 = arith.constant 2 : i32
      %dma_wait3A_115 = arith.constant 0 : i32
      %dma_wait3A_116 = arith.constant 0 : i32
      %dma_wait3A_117 = tpu.memref_slice %arg9[%dma_wait3A_114, %dma_wait3A_115, %dma_wait3A_116] : memref<3x80x128xf32, #tpu.memory_space<vmem>> -> memref<1x80x128xf32, #tpu.memory_space<vmem>>
      %dma_wait3A_118 = tpu.memref_squeeze %dma_wait3A_117 : memref<1x80x128xf32, #tpu.memory_space<vmem>> -> memref<80x128xf32, #tpu.memory_space<vmem>>
      %dma_wait3A_119 = arith.constant 160 : i32
      %dma_wait3A_120 = tpu.memref_slice %arg7[%dma_wait3A_119] : memref<10000xi32, #tpu.memory_space<vmem>> -> memref<80xi32, #tpu.memory_space<vmem>>
      %dma_wait3A_121 = arith.constant 0 : i32
      %dma_wait3A_122 = arith.constant 0 : i32
      %dma_wait3A_123 = tpu.memref_slice %arg2[%dma_wait3A_121, %dma_wait3A_122] : memref<10000x128xf32, #tpu.memory_space<hbm>> -> memref<10000x128xf32, #tpu.memory_space<hbm>>
      tpu.wait_indirect_dma semaphore(%arg13 : memref<!tpu.dma_semaphore, #tpu.memory_space<semaphore_mem>>) src(%dma_wait3A_123 : memref<10000x128xf32, #tpu.memory_space<hbm>>) dst(%dma_wait3A_118 : memref<80x128xf32, #tpu.memory_space<vmem>>)
      %mul3A_124 = arith.constant 80 : i32
      %mul3A_125 = arith.muli %add3A_113, %mul3A_124 : i32
      %run_scoped3A_126 = arith.constant 2 : i32
      "tpu.region"() ({
        %run_scoped3A_134 = tpu.sem_alloc : memref<!tpu.dma_semaphore, #tpu.memory_space<semaphore_mem>>
        %dma_start3A_135 = arith.constant 0 : i32
        %dma_start3A_136 = arith.constant 0 : i32
        %dma_start3A_137 = tpu.memref_slice %arg9[%run_scoped3A_126, %dma_start3A_135, %dma_start3A_136] : memref<3x80x128xf32, #tpu.memory_space<vmem>> -> memref<1x80x128xf32, #tpu.memory_space<vmem>>
        %dma_start3A_138 = tpu.memref_squeeze %dma_start3A_137 : memref<1x80x128xf32, #tpu.memory_space<vmem>> -> memref<80x128xf32, #tpu.memory_space<vmem>>
        %dma_start3A_139 = tpu.memref_slice %arg8[%mul3A_125] : memref<10000xi32, #tpu.memory_space<vmem>> -> memref<80xi32, #tpu.memory_space<vmem>>
        %dma_start3A_140 = arith.constant 0 : i32
        %dma_start3A_141 = arith.constant 0 : i32
        %dma_start3A_142 = tpu.memref_slice %arg10[%dma_start3A_140, %dma_start3A_141] : memref<10000x128xf32, #tpu.memory_space<vmem_shared>> -> memref<10000x128xf32, #tpu.memory_space<vmem_shared>>
        tpu.enqueue_indirect_dma source(%dma_start3A_138 : memref<80x128xf32, #tpu.memory_space<vmem>>) target(%dma_start3A_142 : memref<10000x128xf32, #tpu.memory_space<vmem_shared>>) offsets(%dma_start3A_139 : memref<80xi32, #tpu.memory_space<vmem>>) semaphore(%run_scoped3A_134 : memref<!tpu.dma_semaphore, #tpu.memory_space<semaphore_mem>>) {add = true}
        %dma_wait3A_143 = arith.constant 0 : i32
        %dma_wait3A_144 = arith.constant 0 : i32
        %dma_wait3A_145 = tpu.memref_slice %arg9[%run_scoped3A_126, %dma_wait3A_143, %dma_wait3A_144] : memref<3x80x128xf32, #tpu.memory_space<vmem>> -> memref<1x80x128xf32, #tpu.memory_space<vmem>>
        %dma_wait3A_146 = tpu.memref_squeeze %dma_wait3A_145 : memref<1x80x128xf32, #tpu.memory_space<vmem>> -> memref<80x128xf32, #tpu.memory_space<vmem>>
        %dma_wait3A_147 = tpu.memref_slice %arg8[%mul3A_125] : memref<10000xi32, #tpu.memory_space<vmem>> -> memref<80xi32, #tpu.memory_space<vmem>>
        %dma_wait3A_148 = arith.constant 0 : i32
        %dma_wait3A_149 = arith.constant 0 : i32
        %dma_wait3A_150 = tpu.memref_slice %arg10[%dma_wait3A_148, %dma_wait3A_149] : memref<10000x128xf32, #tpu.memory_space<vmem_shared>> -> memref<10000x128xf32, #tpu.memory_space<vmem_shared>>
        tpu.wait_indirect_dma semaphore(%run_scoped3A_134 : memref<!tpu.dma_semaphore, #tpu.memory_space<semaphore_mem>>) src(%dma_wait3A_146 : memref<80x128xf32, #tpu.memory_space<vmem>>) dst(%dma_wait3A_150 : memref<10000x128xf32, #tpu.memory_space<vmem_shared>>)
        tpu.yield
      }) : () -> ()
      %add3A_127 = arith.constant 3 : i32
      %add3A_128 = arith.addi %add3A_113, %add3A_127 : i32
      %lt3A_129 = arith.constant 125 : i32
      %lt3A_130 = arith.cmpi slt, %add3A_128, %lt3A_129 : i32
      %convert_element_type3A_131 = arith.extui %lt3A_130 : i1 to i32
      %cond3A_132 = arith.constant 0 : i32
      %cond3A_133 = arith.cmpi ne, %convert_element_type3A_131, %cond3A_132 : i32
      scf.if %cond3A_133 {
        %add3A_134 = arith.constant 3 : i32
        %add3A_135 = arith.addi %add3A_113, %add3A_134 : i32
        %mul3A_136 = arith.constant 80 : i32
        %mul3A_137 = arith.muli %add3A_135, %mul3A_136 : i32
        %dma_start3A_138 = arith.constant 2 : i32
        %dma_start3A_139 = arith.constant 0 : i32
        %dma_start3A_140 = arith.constant 0 : i32
        %dma_start3A_141 = tpu.memref_slice %arg9[%dma_start3A_138, %dma_start3A_139, %dma_start3A_140] : memref<3x80x128xf32, #tpu.memory_space<vmem>> -> memref<1x80x128xf32, #tpu.memory_space<vmem>>
        %dma_start3A_142 = tpu.memref_squeeze %dma_start3A_141 : memref<1x80x128xf32, #tpu.memory_space<vmem>> -> memref<80x128xf32, #tpu.memory_space<vmem>>
        %dma_start3A_143 = tpu.memref_slice %arg7[%mul3A_137] : memref<10000xi32, #tpu.memory_space<vmem>> -> memref<80xi32, #tpu.memory_space<vmem>>
        %dma_start3A_144 = arith.constant 0 : i32
        %dma_start3A_145 = arith.constant 0 : i32
        %dma_start3A_146 = tpu.memref_slice %arg2[%dma_start3A_144, %dma_start3A_145] : memref<10000x128xf32, #tpu.memory_space<hbm>> -> memref<10000x128xf32, #tpu.memory_space<hbm>>
        tpu.enqueue_indirect_dma source(%dma_start3A_146 : memref<10000x128xf32, #tpu.memory_space<hbm>>) target(%dma_start3A_142 : memref<80x128xf32, #tpu.memory_space<vmem>>) offsets(%dma_start3A_143 : memref<80xi32, #tpu.memory_space<vmem>>) semaphore(%arg13 : memref<!tpu.dma_semaphore, #tpu.memory_space<semaphore_mem>>)
      } else {
      }
    }
    %scan3A_38 = arith.constant 41 : i32
    %dma_wait3A = arith.constant 0 : i32
    %dma_wait3A_39 = arith.constant 0 : i32
    %dma_wait3A_40 = arith.constant 0 : i32
    %dma_wait3A_41 = tpu.memref_slice %arg9[%dma_wait3A, %dma_wait3A_39, %dma_wait3A_40] : memref<3x80x128xf32, #tpu.memory_space<vmem>> -> memref<1x80x128xf32, #tpu.memory_space<vmem>>
    %dma_wait3A_42 = tpu.memref_squeeze %dma_wait3A_41 : memref<1x80x128xf32, #tpu.memory_space<vmem>> -> memref<80x128xf32, #tpu.memory_space<vmem>>
    %dma_wait3A_43 = arith.constant 0 : i32
    %dma_wait3A_44 = tpu.memref_slice %arg7[%dma_wait3A_43] : memref<10000xi32, #tpu.memory_space<vmem>> -> memref<80xi32, #tpu.memory_space<vmem>>
    %dma_wait3A_45 = arith.constant 0 : i32
    %dma_wait3A_46 = arith.constant 0 : i32
    %dma_wait3A_47 = tpu.memref_slice %arg2[%dma_wait3A_45, %dma_wait3A_46] : memref<10000x128xf32, #tpu.memory_space<hbm>> -> memref<10000x128xf32, #tpu.memory_space<hbm>>
    tpu.wait_indirect_dma semaphore(%arg11 : memref<!tpu.dma_semaphore, #tpu.memory_space<semaphore_mem>>) src(%dma_wait3A_47 : memref<10000x128xf32, #tpu.memory_space<hbm>>) dst(%dma_wait3A_42 : memref<80x128xf32, #tpu.memory_space<vmem>>)
    %run_scoped3A = arith.constant 0 : i32
    "tpu.region"() ({
      %run_scoped3A_65 = tpu.sem_alloc : memref<!tpu.dma_semaphore, #tpu.memory_space<semaphore_mem>>
      %dma_start3A_66 = arith.constant 0 : i32
      %dma_start3A_67 = arith.constant 0 : i32
      %dma_start3A_68 = tpu.memref_slice %arg9[%run_scoped3A, %dma_start3A_66, %dma_start3A_67] : memref<3x80x128xf32, #tpu.memory_space<vmem>> -> memref<1x80x128xf32, #tpu.memory_space<vmem>>
      %dma_start3A_69 = tpu.memref_squeeze %dma_start3A_68 : memref<1x80x128xf32, #tpu.memory_space<vmem>> -> memref<80x128xf32, #tpu.memory_space<vmem>>
      %dma_start3A_70 = arith.constant 9840 : i32
      %dma_start3A_71 = tpu.memref_slice %arg8[%dma_start3A_70] : memref<10000xi32, #tpu.memory_space<vmem>> -> memref<80xi32, #tpu.memory_space<vmem>>
      %dma_start3A_72 = arith.constant 0 : i32
      %dma_start3A_73 = arith.constant 0 : i32
      %dma_start3A_74 = tpu.memref_slice %arg10[%dma_start3A_72, %dma_start3A_73] : memref<10000x128xf32, #tpu.memory_space<vmem_shared>> -> memref<10000x128xf32, #tpu.memory_space<vmem_shared>>
      tpu.enqueue_indirect_dma source(%dma_start3A_69 : memref<80x128xf32, #tpu.memory_space<vmem>>) target(%dma_start3A_74 : memref<10000x128xf32, #tpu.memory_space<vmem_shared>>) offsets(%dma_start3A_71 : memref<80xi32, #tpu.memory_space<vmem>>) semaphore(%run_scoped3A_65 : memref<!tpu.dma_semaphore, #tpu.memory_space<semaphore_mem>>) {add = true}
      %dma_wait3A_75 = arith.constant 0 : i32
      %dma_wait3A_76 = arith.constant 0 : i32
      %dma_wait3A_77 = tpu.memref_slice %arg9[%run_scoped3A, %dma_wait3A_75, %dma_wait3A_76] : memref<3x80x128xf32, #tpu.memory_space<vmem>> -> memref<1x80x128xf32, #tpu.memory_space<vmem>>
      %dma_wait3A_78 = tpu.memref_squeeze %dma_wait3A_77 : memref<1x80x128xf32, #tpu.memory_space<vmem>> -> memref<80x128xf32, #tpu.memory_space<vmem>>
      %dma_wait3A_79 = arith.constant 9840 : i32
      %dma_wait3A_80 = tpu.memref_slice %arg8[%dma_wait3A_79] : memref<10000xi32, #tpu.memory_space<vmem>> -> memref<80xi32, #tpu.memory_space<vmem>>
      %dma_wait3A_81 = arith.constant 0 : i32
      %dma_wait3A_82 = arith.constant 0 : i32
      %dma_wait3A_83 = tpu.memref_slice %arg10[%dma_wait3A_81, %dma_wait3A_82] : memref<10000x128xf32, #tpu.memory_space<vmem_shared>> -> memref<10000x128xf32, #tpu.memory_space<vmem_shared>>
      tpu.wait_indirect_dma semaphore(%run_scoped3A_65 : memref<!tpu.dma_semaphore, #tpu.memory_space<semaphore_mem>>) src(%dma_wait3A_78 : memref<80x128xf32, #tpu.memory_space<vmem>>) dst(%dma_wait3A_83 : memref<10000x128xf32, #tpu.memory_space<vmem_shared>>)
      tpu.yield
    }) : () -> ()
    %dma_wait3A_48 = arith.constant 1 : i32
    %dma_wait3A_49 = arith.constant 0 : i32
    %dma_wait3A_50 = arith.constant 0 : i32
    %dma_wait3A_51 = tpu.memref_slice %arg9[%dma_wait3A_48, %dma_wait3A_49, %dma_wait3A_50] : memref<3x80x128xf32, #tpu.memory_space<vmem>> -> memref<1x80x128xf32, #tpu.memory_space<vmem>>
    %dma_wait3A_52 = tpu.memref_squeeze %dma_wait3A_51 : memref<1x80x128xf32, #tpu.memory_space<vmem>> -> memref<80x128xf32, #tpu.memory_space<vmem>>
    %dma_wait3A_53 = arith.constant 80 : i32
    %dma_wait3A_54 = tpu.memref_slice %arg7[%dma_wait3A_53] : memref<10000xi32, #tpu.memory_space<vmem>> -> memref<80xi32, #tpu.memory_space<vmem>>
    %dma_wait3A_55 = arith.constant 0 : i32
    %dma_wait3A_56 = arith.constant 0 : i32
    %dma_wait3A_57 = tpu.memref_slice %arg2[%dma_wait3A_55, %dma_wait3A_56] : memref<10000x128xf32, #tpu.memory_space<hbm>> -> memref<10000x128xf32, #tpu.memory_space<hbm>>
    tpu.wait_indirect_dma semaphore(%arg12 : memref<!tpu.dma_semaphore, #tpu.memory_space<semaphore_mem>>) src(%dma_wait3A_57 : memref<10000x128xf32, #tpu.memory_space<hbm>>) dst(%dma_wait3A_52 : memref<80x128xf32, #tpu.memory_space<vmem>>)
    %run_scoped3A_58 = arith.constant 1 : i32
    "tpu.region"() ({
      %run_scoped3A_65 = tpu.sem_alloc : memref<!tpu.dma_semaphore, #tpu.memory_space<semaphore_mem>>
      %dma_start3A_66 = arith.constant 0 : i32
      %dma_start3A_67 = arith.constant 0 : i32
      %dma_start3A_68 = tpu.memref_slice %arg9[%run_scoped3A_58, %dma_start3A_66, %dma_start3A_67] : memref<3x80x128xf32, #tpu.memory_space<vmem>> -> memref<1x80x128xf32, #tpu.memory_space<vmem>>
      %dma_start3A_69 = tpu.memref_squeeze %dma_start3A_68 : memref<1x80x128xf32, #tpu.memory_space<vmem>> -> memref<80x128xf32, #tpu.memory_space<vmem>>
      %dma_start3A_70 = arith.constant 9920 : i32
      %dma_start3A_71 = tpu.memref_slice %arg8[%dma_start3A_70] : memref<10000xi32, #tpu.memory_space<vmem>> -> memref<80xi32, #tpu.memory_space<vmem>>
      %dma_start3A_72 = arith.constant 0 : i32
      %dma_start3A_73 = arith.constant 0 : i32
      %dma_start3A_74 = tpu.memref_slice %arg10[%dma_start3A_72, %dma_start3A_73] : memref<10000x128xf32, #tpu.memory_space<vmem_shared>> -> memref<10000x128xf32, #tpu.memory_space<vmem_shared>>
      tpu.enqueue_indirect_dma source(%dma_start3A_69 : memref<80x128xf32, #tpu.memory_space<vmem>>) target(%dma_start3A_74 : memref<10000x128xf32, #tpu.memory_space<vmem_shared>>) offsets(%dma_start3A_71 : memref<80xi32, #tpu.memory_space<vmem>>) semaphore(%run_scoped3A_65 : memref<!tpu.dma_semaphore, #tpu.memory_space<semaphore_mem>>) {add = true}
      %dma_wait3A_75 = arith.constant 0 : i32
      %dma_wait3A_76 = arith.constant 0 : i32
      %dma_wait3A_77 = tpu.memref_slice %arg9[%run_scoped3A_58, %dma_wait3A_75, %dma_wait3A_76] : memref<3x80x128xf32, #tpu.memory_space<vmem>> -> memref<1x80x128xf32, #tpu.memory_space<vmem>>
      %dma_wait3A_78 = tpu.memref_squeeze %dma_wait3A_77 : memref<1x80x128xf32, #tpu.memory_space<vmem>> -> memref<80x128xf32, #tpu.memory_space<vmem>>
      %dma_wait3A_79 = arith.constant 9920 : i32
      %dma_wait3A_80 = tpu.memref_slice %arg8[%dma_wait3A_79] : memref<10000xi32, #tpu.memory_space<vmem>> -> memref<80xi32, #tpu.memory_space<vmem>>
      %dma_wait3A_81 = arith.constant 0 : i32
      %dma_wait3A_82 = arith.constant 0 : i32
      %dma_wait3A_83 = tpu.memref_slice %arg10[%dma_wait3A_81, %dma_wait3A_82] : memref<10000x128xf32, #tpu.memory_space<vmem_shared>> -> memref<10000x128xf32, #tpu.memory_space<vmem_shared>>
      tpu.wait_indirect_dma semaphore(%run_scoped3A_65 : memref<!tpu.dma_semaphore, #tpu.memory_space<semaphore_mem>>) src(%dma_wait3A_78 : memref<80x128xf32, #tpu.memory_space<vmem>>) dst(%dma_wait3A_83 : memref<10000x128xf32, #tpu.memory_space<vmem_shared>>)
      tpu.yield
    }) : () -> ()
    %barrier3A_59 = arith.constant 0 : index
    tpu.barrier barrier_id(%barrier3A_59)
    %lt3A_60 = arith.constant 5 : i32
    %lt3A_61 = arith.cmpi slt, %arg1, %lt3A_60 : i32
    %convert_element_type3A_62 = arith.extui %lt3A_61 : i1 to i32
    %cond3A_63 = arith.constant 0 : i32
    %cond3A_64 = arith.cmpi ne, %convert_element_type3A_62, %cond3A_63 : i32
    scf.if %cond3A_64 {
      %mul3A_65 = arith.constant 2000 : i32
      %mul3A_66 = arith.muli %arg1, %mul3A_65 : i32
      %mul3A_67 = arith.constant 2000 : i32
      %mul3A_68 = arith.muli %arg1, %mul3A_67 : i32
      "tpu.region"() ({
        %run_scoped3A_69 = tpu.sem_alloc : memref<!tpu.dma_semaphore, #tpu.memory_space<semaphore_mem>>
        %dma_start3A_70 = arith.constant 0 : i32
        %dma_start3A_71 = arith.constant 0 : i32
        %dma_start3A_72 = tpu.memref_slice %arg6[%arg0, %dma_start3A_70, %dma_start3A_71] : memref<2x10000x128xf32, #tpu.memory_space<hbm>> -> memref<1x10000x128xf32, #tpu.memory_space<hbm>>
        %dma_start3A_73 = tpu.memref_squeeze %dma_start3A_72 : memref<1x10000x128xf32, #tpu.memory_space<hbm>> -> memref<10000x128xf32, #tpu.memory_space<hbm>>
        %dma_start3A_74 = arith.constant 0 : i32
        %dma_start3A_75 = tpu.memref_slice %dma_start3A_73[%mul3A_68, %dma_start3A_74] : memref<10000x128xf32, #tpu.memory_space<hbm>> -> memref<2000x128xf32, #tpu.memory_space<hbm>>
        %dma_start3A_76 = arith.constant 0 : i32
        %dma_start3A_77 = tpu.memref_slice %arg10[%mul3A_66, %dma_start3A_76] : memref<10000x128xf32, #tpu.memory_space<vmem_shared>> -> memref<2000x128xf32, #tpu.memory_space<vmem_shared>>
        tpu.enqueue_dma source(%dma_start3A_77 : memref<2000x128xf32, #tpu.memory_space<vmem_shared>>) target(%dma_start3A_75 : memref<2000x128xf32, #tpu.memory_space<hbm>>) target_semaphore(%run_scoped3A_69 : memref<!tpu.dma_semaphore, #tpu.memory_space<semaphore_mem>>)
        %dma_wait3A_78 = arith.constant 0 : i32
        %dma_wait3A_79 = arith.constant 0 : i32
        %dma_wait3A_80 = tpu.memref_slice %arg6[%arg0, %dma_wait3A_78, %dma_wait3A_79] : memref<2x10000x128xf32, #tpu.memory_space<hbm>> -> memref<1x10000x128xf32, #tpu.memory_space<hbm>>
        %dma_wait3A_81 = tpu.memref_squeeze %dma_wait3A_80 : memref<1x10000x128xf32, #tpu.memory_space<hbm>> -> memref<10000x128xf32, #tpu.memory_space<hbm>>
        %dma_wait3A_82 = arith.constant 0 : i32
        %dma_wait3A_83 = tpu.memref_slice %dma_wait3A_81[%mul3A_68, %dma_wait3A_82] : memref<10000x128xf32, #tpu.memory_space<hbm>> -> memref<2000x128xf32, #tpu.memory_space<hbm>>
        %dma_wait3A_84 = arith.constant 0 : i32
        %dma_wait3A_85 = tpu.memref_slice %arg10[%mul3A_66, %dma_wait3A_84] : memref<10000x128xf32, #tpu.memory_space<vmem_shared>> -> memref<2000x128xf32, #tpu.memory_space<vmem_shared>>
        tpu.wait_dma2 semaphore(%run_scoped3A_69 : memref<!tpu.dma_semaphore, #tpu.memory_space<semaphore_mem>>) src(%dma_wait3A_85 : memref<2000x128xf32, #tpu.memory_space<vmem_shared>>) dst(%dma_wait3A_83 : memref<2000x128xf32, #tpu.memory_space<hbm>>)
        tpu.yield
      }) : () -> ()
    } else {
    }
    return
  }
}

#map = affine_map<(d0, d1) -> (0)>
#map1 = affine_map<(d0, d1) -> (0, 0)>
#map2 = affine_map<(d0, d1) -> (0, 0, 0)>
module attributes {stable_mosaic.version = 14 : i64} {
  func.func @kdeg(%arg0: i32, %arg1: i32, %arg2: memref<320000xi32, #tpu.memory_space<hbm>>, %arg3: memref<80xi32, #tpu.memory_space<hbm>>, %arg4: memref<80x128xf32, #tpu.memory_space<hbm>>, %arg5: memref<2x80x128xf32, #tpu.memory_space<hbm>>, %arg6: memref<10000xi32, #tpu.memory_space<vmem>>, %arg7: memref<80xi32, #tpu.memory_space<vmem>>, %arg8: memref<80x128xf32, #tpu.memory_space<vmem>>, %arg9: memref<80x128xf32, #tpu.memory_space<vmem_shared>>) attributes {dimension_semantics = [#tpu.dimension_semantics<core_parallel>, #tpu.dimension_semantics<subcore_parallel>], iteration_bounds = array<i64: 2, 16>, scalar_prefetch = 0 : i64, scratch_operands = 4 : i64, tpu.core_type = #tpu.core_type<sc_vector_subcore>, window_params = [{transform_indices = #map}, {transform_indices = #map}, {transform_indices = #map1}, {transform_indices = #map2}]} {
    "tpu.region"() ({
      %run_scoped3A = tpu.sem_alloc : memref<!tpu.dma_semaphore, #tpu.memory_space<semaphore_mem>>
      tpu.enqueue_dma source(%arg4 : memref<80x128xf32, #tpu.memory_space<hbm>>) target(%arg8 : memref<80x128xf32, #tpu.memory_space<vmem>>) target_semaphore(%run_scoped3A : memref<!tpu.dma_semaphore, #tpu.memory_space<semaphore_mem>>)
      tpu.wait_dma2 semaphore(%run_scoped3A : memref<!tpu.dma_semaphore, #tpu.memory_space<semaphore_mem>>) src(%arg4 : memref<80x128xf32, #tpu.memory_space<hbm>>) dst(%arg8 : memref<80x128xf32, #tpu.memory_space<vmem>>)
      tpu.yield
    }) : () -> ()
    "tpu.region"() ({
      %run_scoped3A = tpu.sem_alloc : memref<!tpu.dma_semaphore, #tpu.memory_space<semaphore_mem>>
      tpu.enqueue_dma source(%arg3 : memref<80xi32, #tpu.memory_space<hbm>>) target(%arg7 : memref<80xi32, #tpu.memory_space<vmem>>) target_semaphore(%run_scoped3A : memref<!tpu.dma_semaphore, #tpu.memory_space<semaphore_mem>>)
      tpu.wait_dma2 semaphore(%run_scoped3A : memref<!tpu.dma_semaphore, #tpu.memory_space<semaphore_mem>>) src(%arg3 : memref<80xi32, #tpu.memory_space<hbm>>) dst(%arg7 : memref<80xi32, #tpu.memory_space<vmem>>)
      tpu.yield
    }) : () -> ()
    %mul3A = arith.constant 160000 : i32
    %mul3A_0 = arith.muli %arg0, %mul3A : i32
    %mul3A_1 = arith.constant 10000 : i32
    %mul3A_2 = arith.muli %arg1, %mul3A_1 : i32
    %add3A = arith.addi %mul3A_0, %mul3A_2 : i32
    "tpu.region"() ({
      %run_scoped3A = tpu.sem_alloc : memref<!tpu.dma_semaphore, #tpu.memory_space<semaphore_mem>>
      %dma_start3A = tpu.memref_slice %arg2[%add3A] : memref<320000xi32, #tpu.memory_space<hbm>> -> memref<10000xi32, #tpu.memory_space<hbm>>
      %dma_start3A_17 = tpu.memref_slice %arg2[%add3A] : memref<320000xi32, #tpu.memory_space<hbm>> -> memref<10000xi32, #tpu.memory_space<hbm>>
      tpu.enqueue_dma source(%dma_start3A_17 : memref<10000xi32, #tpu.memory_space<hbm>>) target(%arg6 : memref<10000xi32, #tpu.memory_space<vmem>>) target_semaphore(%run_scoped3A : memref<!tpu.dma_semaphore, #tpu.memory_space<semaphore_mem>>)
      %dma_wait3A = tpu.memref_slice %arg2[%add3A] : memref<320000xi32, #tpu.memory_space<hbm>> -> memref<10000xi32, #tpu.memory_space<hbm>>
      %dma_wait3A_18 = tpu.memref_slice %arg2[%add3A] : memref<320000xi32, #tpu.memory_space<hbm>> -> memref<10000xi32, #tpu.memory_space<hbm>>
      tpu.wait_dma2 semaphore(%run_scoped3A : memref<!tpu.dma_semaphore, #tpu.memory_space<semaphore_mem>>) src(%dma_wait3A_18 : memref<10000xi32, #tpu.memory_space<hbm>>) dst(%arg6 : memref<10000xi32, #tpu.memory_space<vmem>>)
      tpu.yield
    }) : () -> ()
    %eq3A = arith.constant 0 : i32
    %eq3A_3 = arith.cmpi eq, %arg1, %eq3A : i32
    %convert_element_type3A = arith.extui %eq3A_3 : i1 to i32
    %cond3A = arith.constant 0 : i32
    %cond3A_4 = arith.cmpi ne, %convert_element_type3A, %cond3A : i32
    scf.if %cond3A_4 {
      "tpu.region"() ({
        %run_scoped3A = tpu.sem_alloc : memref<!tpu.dma_semaphore, #tpu.memory_space<semaphore_mem>>
        tpu.enqueue_dma source(%arg4 : memref<80x128xf32, #tpu.memory_space<hbm>>) target(%arg9 : memref<80x128xf32, #tpu.memory_space<vmem_shared>>) target_semaphore(%run_scoped3A : memref<!tpu.dma_semaphore, #tpu.memory_space<semaphore_mem>>)
        tpu.wait_dma2 semaphore(%run_scoped3A : memref<!tpu.dma_semaphore, #tpu.memory_space<semaphore_mem>>) src(%arg4 : memref<80x128xf32, #tpu.memory_space<hbm>>) dst(%arg9 : memref<80x128xf32, #tpu.memory_space<vmem_shared>>)
        tpu.yield
      }) : () -> ()
    } else {
    }
    %barrier3A = arith.constant 0 : index
    tpu.barrier barrier_id(%barrier3A)
    %broadcast_in_dim3A = arith.constant 1.000000e+00 : f32
    %broadcast_in_dim3A_5 = vector.broadcast %broadcast_in_dim3A : f32 to vector<16xf32>
    %scan3A = arith.constant 0 : i32
    %scan3A_6 = arith.constant 0 : i32
    %scan3A_7 = arith.constant 625 : i32
    %scan3A_8 = arith.addi %scan3A_6, %scan3A_7 : i32
    %scan3A_9 = arith.constant 1 : i32
    scf.for %scan3A_17 = %scan3A_6 to %scan3A_8 step %scan3A_9  : i32 {
      %mul3A_18 = arith.constant 16 : i32
      %mul3A_19 = arith.muli %scan3A_17, %mul3A_18 : i32
      %get3A = arith.index_cast %mul3A_19 : i32 to index
      %get3A_20 = tpu.vector_load %arg6[%get3A] {strides = array<i32>} : memref<10000xi32, #tpu.memory_space<vmem>>, vector<16xi32>,
      %shift_right_arithmetic3A = arith.constant 7 : i32
      %shift_right_arithmetic3A_21 = vector.broadcast %shift_right_arithmetic3A : i32 to vector<16xi32>
      %shift_right_arithmetic3A_22 = arith.shrsi %get3A_20, %shift_right_arithmetic3A_21 : vector<16xi32>
      %and3A = arith.constant 127 : i32
      %and3A_23 = vector.broadcast %and3A : i32 to vector<16xi32>
      %and3A_24 = arith.andi %get3A_20, %and3A_23 : vector<16xi32>
      tpu.vector_store_idx %arg8[%shift_right_arithmetic3A_22, %and3A_24], %broadcast_in_dim3A_5 {add = true} : memref<80x128xf32, #tpu.memory_space<vmem>>[vector<16xi32>, vector<16xi32>], vector<16xf32>,
    }
    %scan3A_10 = arith.constant 625 : i32
    "tpu.region"() ({
      %run_scoped3A = tpu.sem_alloc : memref<!tpu.dma_semaphore, #tpu.memory_space<semaphore_mem>>
      %dma_start3A = arith.constant 0 : i32
      %dma_start3A_17 = arith.constant 0 : i32
      %dma_start3A_18 = tpu.memref_slice %arg9[%dma_start3A, %dma_start3A_17] : memref<80x128xf32, #tpu.memory_space<vmem_shared>> -> memref<80x128xf32, #tpu.memory_space<vmem_shared>>
      tpu.enqueue_indirect_dma source(%arg8 : memref<80x128xf32, #tpu.memory_space<vmem>>) target(%dma_start3A_18 : memref<80x128xf32, #tpu.memory_space<vmem_shared>>) offsets(%arg7 : memref<80xi32, #tpu.memory_space<vmem>>) semaphore(%run_scoped3A : memref<!tpu.dma_semaphore, #tpu.memory_space<semaphore_mem>>) {add = true}
      %dma_wait3A = arith.constant 0 : i32
      %dma_wait3A_19 = arith.constant 0 : i32
      %dma_wait3A_20 = tpu.memref_slice %arg9[%dma_wait3A, %dma_wait3A_19] : memref<80x128xf32, #tpu.memory_space<vmem_shared>> -> memref<80x128xf32, #tpu.memory_space<vmem_shared>>
      tpu.wait_indirect_dma semaphore(%run_scoped3A : memref<!tpu.dma_semaphore, #tpu.memory_space<semaphore_mem>>) src(%arg8 : memref<80x128xf32, #tpu.memory_space<vmem>>) dst(%dma_wait3A_20 : memref<80x128xf32, #tpu.memory_space<vmem_shared>>)
      tpu.yield
    }) : () -> ()
    %barrier3A_11 = arith.constant 0 : index
    tpu.barrier barrier_id(%barrier3A_11)
    %eq3A_12 = arith.constant 0 : i32
    %eq3A_13 = arith.cmpi eq, %arg1, %eq3A_12 : i32
    %convert_element_type3A_14 = arith.extui %eq3A_13 : i1 to i32
    %cond3A_15 = arith.constant 0 : i32
    %cond3A_16 = arith.cmpi ne, %convert_element_type3A_14, %cond3A_15 : i32
    scf.if %cond3A_16 {
      "tpu.region"() ({
        %run_scoped3A = tpu.sem_alloc : memref<!tpu.dma_semaphore, #tpu.memory_space<semaphore_mem>>
        %dma_start3A = arith.constant 0 : i32
        %dma_start3A_17 = arith.constant 0 : i32
        %dma_start3A_18 = tpu.memref_slice %arg5[%arg0, %dma_start3A, %dma_start3A_17] : memref<2x80x128xf32, #tpu.memory_space<hbm>> -> memref<1x80x128xf32, #tpu.memory_space<hbm>>
        %dma_start3A_19 = tpu.memref_squeeze %dma_start3A_18 : memref<1x80x128xf32, #tpu.memory_space<hbm>> -> memref<80x128xf32, #tpu.memory_space<hbm>>
        tpu.enqueue_dma source(%arg9 : memref<80x128xf32, #tpu.memory_space<vmem_shared>>) target(%dma_start3A_19 : memref<80x128xf32, #tpu.memory_space<hbm>>) target_semaphore(%run_scoped3A : memref<!tpu.dma_semaphore, #tpu.memory_space<semaphore_mem>>)
        %dma_wait3A = arith.constant 0 : i32
        %dma_wait3A_20 = arith.constant 0 : i32
        %dma_wait3A_21 = tpu.memref_slice %arg5[%arg0, %dma_wait3A, %dma_wait3A_20] : memref<2x80x128xf32, #tpu.memory_space<hbm>> -> memref<1x80x128xf32, #tpu.memory_space<hbm>>
        %dma_wait3A_22 = tpu.memref_squeeze %dma_wait3A_21 : memref<1x80x128xf32, #tpu.memory_space<hbm>> -> memref<80x128xf32, #tpu.memory_space<hbm>>
        tpu.wait_dma2 semaphore(%run_scoped3A : memref<!tpu.dma_semaphore, #tpu.memory_space<semaphore_mem>>) src(%arg9 : memref<80x128xf32, #tpu.memory_space<vmem_shared>>) dst(%dma_wait3A_22 : memref<80x128xf32, #tpu.memory_space<hbm>>)
        tpu.yield
      }) : () -> ()
    } else {
    }
    return
  }
}

#map = affine_map<(d0, d1) -> (0, 0)>
#map1 = affine_map<(d0, d1) -> (0)>
#map2 = affine_map<(d0, d1) -> (0, 0, 0)>
module attributes {stable_mosaic.version = 14 : i64} {
  func.func @kagg(%arg0: i32, %arg1: i32, %arg2: memref<10000x128xf32, #tpu.memory_space<hbm>>, %arg3: memref<320000xi32, #tpu.memory_space<hbm>>, %arg4: memref<320000xi32, #tpu.memory_space<hbm>>, %arg5: memref<2000x128xf32, #tpu.memory_space<hbm>>, %arg6: memref<2x10000x128xf32, #tpu.memory_space<hbm>>, %arg7: memref<10000xi32, #tpu.memory_space<vmem>>, %arg8: memref<10000xi32, #tpu.memory_space<vmem>>, %arg9: memref<3x80x128xf32, #tpu.memory_space<vmem>>, %arg10: memref<10000x128xf32, #tpu.memory_space<vmem_shared>>, %arg11: memref<!tpu.dma_semaphore, #tpu.memory_space<semaphore_mem>>, %arg12: memref<!tpu.dma_semaphore, #tpu.memory_space<semaphore_mem>>, %arg13: memref<!tpu.dma_semaphore, #tpu.memory_space<semaphore_mem>>) attributes {dimension_semantics = [#tpu.dimension_semantics<core_parallel>, #tpu.dimension_semantics<subcore_parallel>], iteration_bounds = array<i64: 2, 16>, scalar_prefetch = 0 : i64, scratch_operands = 7 : i64, tpu.core_type = #tpu.core_type<sc_vector_subcore>, window_params = [{transform_indices = #map}, {transform_indices = #map1}, {transform_indices = #map1}, {transform_indices = #map}, {transform_indices = #map2}]} {
    %mul3A = arith.constant 16 : i32
    %mul3A_0 = arith.muli %arg0, %mul3A : i32
    %add3A = arith.addi %mul3A_0, %arg1 : i32
    %mul3A_1 = arith.constant 10000 : i32
    %mul3A_2 = arith.muli %add3A, %mul3A_1 : i32
    "tpu.region"() ({
      %run_scoped3A_65 = tpu.sem_alloc : memref<!tpu.dma_semaphore, #tpu.memory_space<semaphore_mem>>
      %dma_start3A_66 = tpu.memref_slice %arg3[%mul3A_2] : memref<320000xi32, #tpu.memory_space<hbm>> -> memref<10000xi32, #tpu.memory_space<hbm>>
      %dma_start3A_67 = tpu.memref_slice %arg3[%mul3A_2] : memref<320000xi32, #tpu.memory_space<hbm>> -> memref<10000xi32, #tpu.memory_space<hbm>>
      tpu.enqueue_dma source(%dma_start3A_67 : memref<10000xi32, #tpu.memory_space<hbm>>) target(%arg7 : memref<10000xi32, #tpu.memory_space<vmem>>) target_semaphore(%run_scoped3A_65 : memref<!tpu.dma_semaphore, #tpu.memory_space<semaphore_mem>>)
      %dma_wait3A_68 = tpu.memref_slice %arg3[%mul3A_2] : memref<320000xi32, #tpu.memory_space<hbm>> -> memref<10000xi32, #tpu.memory_space<hbm>>
      %dma_wait3A_69 = tpu.memref_slice %arg3[%mul3A_2] : memref<320000xi32, #tpu.memory_space<hbm>> -> memref<10000xi32, #tpu.memory_space<hbm>>
      tpu.wait_dma2 semaphore(%run_scoped3A_65 : memref<!tpu.dma_semaphore, #tpu.memory_space<semaphore_mem>>) src(%dma_wait3A_69 : memref<10000xi32, #tpu.memory_space<hbm>>) dst(%arg7 : memref<10000xi32, #tpu.memory_space<vmem>>)
      tpu.yield
    }) : () -> ()
    "tpu.region"() ({
      %run_scoped3A_65 = tpu.sem_alloc : memref<!tpu.dma_semaphore, #tpu.memory_space<semaphore_mem>>
      %dma_start3A_66 = tpu.memref_slice %arg4[%mul3A_2] : memref<320000xi32, #tpu.memory_space<hbm>> -> memref<10000xi32, #tpu.memory_space<hbm>>
      %dma_start3A_67 = tpu.memref_slice %arg4[%mul3A_2] : memref<320000xi32, #tpu.memory_space<hbm>> -> memref<10000xi32, #tpu.memory_space<hbm>>
      tpu.enqueue_dma source(%dma_start3A_67 : memref<10000xi32, #tpu.memory_space<hbm>>) target(%arg8 : memref<10000xi32, #tpu.memory_space<vmem>>) target_semaphore(%run_scoped3A_65 : memref<!tpu.dma_semaphore, #tpu.memory_space<semaphore_mem>>)
      %dma_wait3A_68 = tpu.memref_slice %arg4[%mul3A_2] : memref<320000xi32, #tpu.memory_space<hbm>> -> memref<10000xi32, #tpu.memory_space<hbm>>
      %dma_wait3A_69 = tpu.memref_slice %arg4[%mul3A_2] : memref<320000xi32, #tpu.memory_space<hbm>> -> memref<10000xi32, #tpu.memory_space<hbm>>
      tpu.wait_dma2 semaphore(%run_scoped3A_65 : memref<!tpu.dma_semaphore, #tpu.memory_space<semaphore_mem>>) src(%dma_wait3A_69 : memref<10000xi32, #tpu.memory_space<hbm>>) dst(%arg8 : memref<10000xi32, #tpu.memory_space<vmem>>)
      tpu.yield
    }) : () -> ()
    %lt3A = arith.constant 5 : i32
    %lt3A_3 = arith.cmpi slt, %arg1, %lt3A : i32
    %convert_element_type3A = arith.extui %lt3A_3 : i1 to i32
    %cond3A = arith.constant 0 : i32
    %cond3A_4 = arith.cmpi ne, %convert_element_type3A, %cond3A : i32
    scf.if %cond3A_4 {
      %mul3A_65 = arith.constant 2000 : i32
      %mul3A_66 = arith.muli %arg1, %mul3A_65 : i32
      "tpu.region"() ({
        %run_scoped3A_67 = tpu.sem_alloc : memref<!tpu.dma_semaphore, #tpu.memory_space<semaphore_mem>>
        %dma_start3A_68 = arith.constant 0 : i32
        %dma_start3A_69 = tpu.memref_slice %arg10[%mul3A_66, %dma_start3A_68] : memref<10000x128xf32, #tpu.memory_space<vmem_shared>> -> memref<2000x128xf32, #tpu.memory_space<vmem_shared>>
        tpu.enqueue_dma source(%arg5 : memref<2000x128xf32, #tpu.memory_space<hbm>>) target(%dma_start3A_69 : memref<2000x128xf32, #tpu.memory_space<vmem_shared>>) target_semaphore(%run_scoped3A_67 : memref<!tpu.dma_semaphore, #tpu.memory_space<semaphore_mem>>)
        %dma_wait3A_70 = arith.constant 0 : i32
        %dma_wait3A_71 = tpu.memref_slice %arg10[%mul3A_66, %dma_wait3A_70] : memref<10000x128xf32, #tpu.memory_space<vmem_shared>> -> memref<2000x128xf32, #tpu.memory_space<vmem_shared>>
        tpu.wait_dma2 semaphore(%run_scoped3A_67 : memref<!tpu.dma_semaphore, #tpu.memory_space<semaphore_mem>>) src(%arg5 : memref<2000x128xf32, #tpu.memory_space<hbm>>) dst(%dma_wait3A_71 : memref<2000x128xf32, #tpu.memory_space<vmem_shared>>)
        tpu.yield
      }) : () -> ()
    } else {
    }
    %barrier3A = arith.constant 0 : index
    tpu.barrier barrier_id(%barrier3A)
    %dma_start3A = arith.constant 0 : i32
    %dma_start3A_5 = arith.constant 0 : i32
    %dma_start3A_6 = arith.constant 0 : i32
    %dma_start3A_7 = tpu.memref_slice %arg9[%dma_start3A, %dma_start3A_5, %dma_start3A_6] : memref<3x80x128xf32, #tpu.memory_space<vmem>> -> memref<1x80x128xf32, #tpu.memory_space<vmem>>
    %dma_start3A_8 = tpu.memref_squeeze %dma_start3A_7 : memref<1x80x128xf32, #tpu.memory_space<vmem>> -> memref<80x128xf32, #tpu.memory_space<vmem>>
    %dma_start3A_9 = arith.constant 0 : i32
    %dma_start3A_10 = tpu.memref_slice %arg7[%dma_start3A_9] : memref<10000xi32, #tpu.memory_space<vmem>> -> memref<80xi32, #tpu.memory_space<vmem>>
    %dma_start3A_11 = arith.constant 0 : i32
    %dma_start3A_12 = arith.constant 0 : i32
    %dma_start3A_13 = tpu.memref_slice %arg2[%dma_start3A_11, %dma_start3A_12] : memref<10000x128xf32, #tpu.memory_space<hbm>> -> memref<10000x128xf32, #tpu.memory_space<hbm>>
    tpu.enqueue_indirect_dma source(%dma_start3A_13 : memref<10000x128xf32, #tpu.memory_space<hbm>>) target(%dma_start3A_8 : memref<80x128xf32, #tpu.memory_space<vmem>>) offsets(%dma_start3A_10 : memref<80xi32, #tpu.memory_space<vmem>>) semaphore(%arg11 : memref<!tpu.dma_semaphore, #tpu.memory_space<semaphore_mem>>)
    %dma_start3A_14 = arith.constant 1 : i32
    %dma_start3A_15 = arith.constant 0 : i32
    %dma_start3A_16 = arith.constant 0 : i32
    %dma_start3A_17 = tpu.memref_slice %arg9[%dma_start3A_14, %dma_start3A_15, %dma_start3A_16] : memref<3x80x128xf32, #tpu.memory_space<vmem>> -> memref<1x80x128xf32, #tpu.memory_space<vmem>>
    %dma_start3A_18 = tpu.memref_squeeze %dma_start3A_17 : memref<1x80x128xf32, #tpu.memory_space<vmem>> -> memref<80x128xf32, #tpu.memory_space<vmem>>
    %dma_start3A_19 = arith.constant 80 : i32
    %dma_start3A_20 = tpu.memref_slice %arg7[%dma_start3A_19] : memref<10000xi32, #tpu.memory_space<vmem>> -> memref<80xi32, #tpu.memory_space<vmem>>
    %dma_start3A_21 = arith.constant 0 : i32
    %dma_start3A_22 = arith.constant 0 : i32
    %dma_start3A_23 = tpu.memref_slice %arg2[%dma_start3A_21, %dma_start3A_22] : memref<10000x128xf32, #tpu.memory_space<hbm>> -> memref<10000x128xf32, #tpu.memory_space<hbm>>
    tpu.enqueue_indirect_dma source(%dma_start3A_23 : memref<10000x128xf32, #tpu.memory_space<hbm>>) target(%dma_start3A_18 : memref<80x128xf32, #tpu.memory_space<vmem>>) offsets(%dma_start3A_20 : memref<80xi32, #tpu.memory_space<vmem>>) semaphore(%arg12 : memref<!tpu.dma_semaphore, #tpu.memory_space<semaphore_mem>>)
    %dma_start3A_24 = arith.constant 2 : i32
    %dma_start3A_25 = arith.constant 0 : i32
    %dma_start3A_26 = arith.constant 0 : i32
    %dma_start3A_27 = tpu.memref_slice %arg9[%dma_start3A_24, %dma_start3A_25, %dma_start3A_26] : memref<3x80x128xf32, #tpu.memory_space<vmem>> -> memref<1x80x128xf32, #tpu.memory_space<vmem>>
    %dma_start3A_28 = tpu.memref_squeeze %dma_start3A_27 : memref<1x80x128xf32, #tpu.memory_space<vmem>> -> memref<80x128xf32, #tpu.memory_space<vmem>>
    %dma_start3A_29 = arith.constant 160 : i32
    %dma_start3A_30 = tpu.memref_slice %arg7[%dma_start3A_29] : memref<10000xi32, #tpu.memory_space<vmem>> -> memref<80xi32, #tpu.memory_space<vmem>>
    %dma_start3A_31 = arith.constant 0 : i32
    %dma_start3A_32 = arith.constant 0 : i32
    %dma_start3A_33 = tpu.memref_slice %arg2[%dma_start3A_31, %dma_start3A_32] : memref<10000x128xf32, #tpu.memory_space<hbm>> -> memref<10000x128xf32, #tpu.memory_space<hbm>>
    tpu.enqueue_indirect_dma source(%dma_start3A_33 : memref<10000x128xf32, #tpu.memory_space<hbm>>) target(%dma_start3A_28 : memref<80x128xf32, #tpu.memory_space<vmem>>) offsets(%dma_start3A_30 : memref<80xi32, #tpu.memory_space<vmem>>) semaphore(%arg13 : memref<!tpu.dma_semaphore, #tpu.memory_space<semaphore_mem>>)
    %scan3A = arith.constant 0 : i32
    %scan3A_34 = arith.constant 0 : i32
    %scan3A_35 = arith.constant 41 : i32
    %scan3A_36 = arith.addi %scan3A_34, %scan3A_35 : i32
    %scan3A_37 = arith.constant 1 : i32
    scf.for %scan3A_65 = %scan3A_34 to %scan3A_36 step %scan3A_37  : i32 {
      %mul3A_66 = arith.constant 3 : i32
      %mul3A_67 = arith.muli %scan3A_65, %mul3A_66 : i32
      %add3A_68 = arith.constant 0 : i32
      %add3A_69 = arith.addi %mul3A_67, %add3A_68 : i32
      %dma_wait3A_70 = arith.constant 0 : i32
      %dma_wait3A_71 = arith.constant 0 : i32
      %dma_wait3A_72 = arith.constant 0 : i32
      %dma_wait3A_73 = tpu.memref_slice %arg9[%dma_wait3A_70, %dma_wait3A_71, %dma_wait3A_72] : memref<3x80x128xf32, #tpu.memory_space<vmem>> -> memref<1x80x128xf32, #tpu.memory_space<vmem>>
      %dma_wait3A_74 = tpu.memref_squeeze %dma_wait3A_73 : memref<1x80x128xf32, #tpu.memory_space<vmem>> -> memref<80x128xf32, #tpu.memory_space<vmem>>
      %dma_wait3A_75 = arith.constant 0 : i32
      %dma_wait3A_76 = tpu.memref_slice %arg7[%dma_wait3A_75] : memref<10000xi32, #tpu.memory_space<vmem>> -> memref<80xi32, #tpu.memory_space<vmem>>
      %dma_wait3A_77 = arith.constant 0 : i32
      %dma_wait3A_78 = arith.constant 0 : i32
      %dma_wait3A_79 = tpu.memref_slice %arg2[%dma_wait3A_77, %dma_wait3A_78] : memref<10000x128xf32, #tpu.memory_space<hbm>> -> memref<10000x128xf32, #tpu.memory_space<hbm>>
      tpu.wait_indirect_dma semaphore(%arg11 : memref<!tpu.dma_semaphore, #tpu.memory_space<semaphore_mem>>) src(%dma_wait3A_79 : memref<10000x128xf32, #tpu.memory_space<hbm>>) dst(%dma_wait3A_74 : memref<80x128xf32, #tpu.memory_space<vmem>>)
      %mul3A_80 = arith.constant 80 : i32
      %mul3A_81 = arith.muli %add3A_69, %mul3A_80 : i32
      %run_scoped3A_82 = arith.constant 0 : i32
      "tpu.region"() ({
        %run_scoped3A_134 = tpu.sem_alloc : memref<!tpu.dma_semaphore, #tpu.memory_space<semaphore_mem>>
        %dma_start3A_135 = arith.constant 0 : i32
        %dma_start3A_136 = arith.constant 0 : i32
        %dma_start3A_137 = tpu.memref_slice %arg9[%run_scoped3A_82, %dma_start3A_135, %dma_start3A_136] : memref<3x80x128xf32, #tpu.memory_space<vmem>> -> memref<1x80x128xf32, #tpu.memory_space<vmem>>
        %dma_start3A_138 = tpu.memref_squeeze %dma_start3A_137 : memref<1x80x128xf32, #tpu.memory_space<vmem>> -> memref<80x128xf32, #tpu.memory_space<vmem>>
        %dma_start3A_139 = tpu.memref_slice %arg8[%mul3A_81] : memref<10000xi32, #tpu.memory_space<vmem>> -> memref<80xi32, #tpu.memory_space<vmem>>
        %dma_start3A_140 = arith.constant 0 : i32
        %dma_start3A_141 = arith.constant 0 : i32
        %dma_start3A_142 = tpu.memref_slice %arg10[%dma_start3A_140, %dma_start3A_141] : memref<10000x128xf32, #tpu.memory_space<vmem_shared>> -> memref<10000x128xf32, #tpu.memory_space<vmem_shared>>
        tpu.enqueue_indirect_dma source(%dma_start3A_138 : memref<80x128xf32, #tpu.memory_space<vmem>>) target(%dma_start3A_142 : memref<10000x128xf32, #tpu.memory_space<vmem_shared>>) offsets(%dma_start3A_139 : memref<80xi32, #tpu.memory_space<vmem>>) semaphore(%run_scoped3A_134 : memref<!tpu.dma_semaphore, #tpu.memory_space<semaphore_mem>>) {add = true}
        %dma_wait3A_143 = arith.constant 0 : i32
        %dma_wait3A_144 = arith.constant 0 : i32
        %dma_wait3A_145 = tpu.memref_slice %arg9[%run_scoped3A_82, %dma_wait3A_143, %dma_wait3A_144] : memref<3x80x128xf32, #tpu.memory_space<vmem>> -> memref<1x80x128xf32, #tpu.memory_space<vmem>>
        %dma_wait3A_146 = tpu.memref_squeeze %dma_wait3A_145 : memref<1x80x128xf32, #tpu.memory_space<vmem>> -> memref<80x128xf32, #tpu.memory_space<vmem>>
        %dma_wait3A_147 = tpu.memref_slice %arg8[%mul3A_81] : memref<10000xi32, #tpu.memory_space<vmem>> -> memref<80xi32, #tpu.memory_space<vmem>>
        %dma_wait3A_148 = arith.constant 0 : i32
        %dma_wait3A_149 = arith.constant 0 : i32
        %dma_wait3A_150 = tpu.memref_slice %arg10[%dma_wait3A_148, %dma_wait3A_149] : memref<10000x128xf32, #tpu.memory_space<vmem_shared>> -> memref<10000x128xf32, #tpu.memory_space<vmem_shared>>
        tpu.wait_indirect_dma semaphore(%run_scoped3A_134 : memref<!tpu.dma_semaphore, #tpu.memory_space<semaphore_mem>>) src(%dma_wait3A_146 : memref<80x128xf32, #tpu.memory_space<vmem>>) dst(%dma_wait3A_150 : memref<10000x128xf32, #tpu.memory_space<vmem_shared>>)
        tpu.yield
      }) : () -> ()
      %add3A_83 = arith.constant 3 : i32
      %add3A_84 = arith.addi %add3A_69, %add3A_83 : i32
      %lt3A_85 = arith.constant 125 : i32
      %lt3A_86 = arith.cmpi slt, %add3A_84, %lt3A_85 : i32
      %convert_element_type3A_87 = arith.extui %lt3A_86 : i1 to i32
      %cond3A_88 = arith.constant 0 : i32
      %cond3A_89 = arith.cmpi ne, %convert_element_type3A_87, %cond3A_88 : i32
      scf.if %cond3A_89 {
        %add3A_134 = arith.constant 3 : i32
        %add3A_135 = arith.addi %add3A_69, %add3A_134 : i32
        %mul3A_136 = arith.constant 80 : i32
        %mul3A_137 = arith.muli %add3A_135, %mul3A_136 : i32
        %dma_start3A_138 = arith.constant 0 : i32
        %dma_start3A_139 = arith.constant 0 : i32
        %dma_start3A_140 = arith.constant 0 : i32
        %dma_start3A_141 = tpu.memref_slice %arg9[%dma_start3A_138, %dma_start3A_139, %dma_start3A_140] : memref<3x80x128xf32, #tpu.memory_space<vmem>> -> memref<1x80x128xf32, #tpu.memory_space<vmem>>
        %dma_start3A_142 = tpu.memref_squeeze %dma_start3A_141 : memref<1x80x128xf32, #tpu.memory_space<vmem>> -> memref<80x128xf32, #tpu.memory_space<vmem>>
        %dma_start3A_143 = tpu.memref_slice %arg7[%mul3A_137] : memref<10000xi32, #tpu.memory_space<vmem>> -> memref<80xi32, #tpu.memory_space<vmem>>
        %dma_start3A_144 = arith.constant 0 : i32
        %dma_start3A_145 = arith.constant 0 : i32
        %dma_start3A_146 = tpu.memref_slice %arg2[%dma_start3A_144, %dma_start3A_145] : memref<10000x128xf32, #tpu.memory_space<hbm>> -> memref<10000x128xf32, #tpu.memory_space<hbm>>
        tpu.enqueue_indirect_dma source(%dma_start3A_146 : memref<10000x128xf32, #tpu.memory_space<hbm>>) target(%dma_start3A_142 : memref<80x128xf32, #tpu.memory_space<vmem>>) offsets(%dma_start3A_143 : memref<80xi32, #tpu.memory_space<vmem>>) semaphore(%arg11 : memref<!tpu.dma_semaphore, #tpu.memory_space<semaphore_mem>>)
      } else {
      }
      %add3A_90 = arith.constant 1 : i32
      %add3A_91 = arith.addi %mul3A_67, %add3A_90 : i32
      %dma_wait3A_92 = arith.constant 1 : i32
      %dma_wait3A_93 = arith.constant 0 : i32
      %dma_wait3A_94 = arith.constant 0 : i32
      %dma_wait3A_95 = tpu.memref_slice %arg9[%dma_wait3A_92, %dma_wait3A_93, %dma_wait3A_94] : memref<3x80x128xf32, #tpu.memory_space<vmem>> -> memref<1x80x128xf32, #tpu.memory_space<vmem>>
      %dma_wait3A_96 = tpu.memref_squeeze %dma_wait3A_95 : memref<1x80x128xf32, #tpu.memory_space<vmem>> -> memref<80x128xf32, #tpu.memory_space<vmem>>
      %dma_wait3A_97 = arith.constant 80 : i32
      %dma_wait3A_98 = tpu.memref_slice %arg7[%dma_wait3A_97] : memref<10000xi32, #tpu.memory_space<vmem>> -> memref<80xi32, #tpu.memory_space<vmem>>
      %dma_wait3A_99 = arith.constant 0 : i32
      %dma_wait3A_100 = arith.constant 0 : i32
      %dma_wait3A_101 = tpu.memref_slice %arg2[%dma_wait3A_99, %dma_wait3A_100] : memref<10000x128xf32, #tpu.memory_space<hbm>> -> memref<10000x128xf32, #tpu.memory_space<hbm>>
      tpu.wait_indirect_dma semaphore(%arg12 : memref<!tpu.dma_semaphore, #tpu.memory_space<semaphore_mem>>) src(%dma_wait3A_101 : memref<10000x128xf32, #tpu.memory_space<hbm>>) dst(%dma_wait3A_96 : memref<80x128xf32, #tpu.memory_space<vmem>>)
      %mul3A_102 = arith.constant 80 : i32
      %mul3A_103 = arith.muli %add3A_91, %mul3A_102 : i32
      %run_scoped3A_104 = arith.constant 1 : i32
      "tpu.region"() ({
        %run_scoped3A_134 = tpu.sem_alloc : memref<!tpu.dma_semaphore, #tpu.memory_space<semaphore_mem>>
        %dma_start3A_135 = arith.constant 0 : i32
        %dma_start3A_136 = arith.constant 0 : i32
        %dma_start3A_137 = tpu.memref_slice %arg9[%run_scoped3A_104, %dma_start3A_135, %dma_start3A_136] : memref<3x80x128xf32, #tpu.memory_space<vmem>> -> memref<1x80x128xf32, #tpu.memory_space<vmem>>
        %dma_start3A_138 = tpu.memref_squeeze %dma_start3A_137 : memref<1x80x128xf32, #tpu.memory_space<vmem>> -> memref<80x128xf32, #tpu.memory_space<vmem>>
        %dma_start3A_139 = tpu.memref_slice %arg8[%mul3A_103] : memref<10000xi32, #tpu.memory_space<vmem>> -> memref<80xi32, #tpu.memory_space<vmem>>
        %dma_start3A_140 = arith.constant 0 : i32
        %dma_start3A_141 = arith.constant 0 : i32
        %dma_start3A_142 = tpu.memref_slice %arg10[%dma_start3A_140, %dma_start3A_141] : memref<10000x128xf32, #tpu.memory_space<vmem_shared>> -> memref<10000x128xf32, #tpu.memory_space<vmem_shared>>
        tpu.enqueue_indirect_dma source(%dma_start3A_138 : memref<80x128xf32, #tpu.memory_space<vmem>>) target(%dma_start3A_142 : memref<10000x128xf32, #tpu.memory_space<vmem_shared>>) offsets(%dma_start3A_139 : memref<80xi32, #tpu.memory_space<vmem>>) semaphore(%run_scoped3A_134 : memref<!tpu.dma_semaphore, #tpu.memory_space<semaphore_mem>>) {add = true}
        %dma_wait3A_143 = arith.constant 0 : i32
        %dma_wait3A_144 = arith.constant 0 : i32
        %dma_wait3A_145 = tpu.memref_slice %arg9[%run_scoped3A_104, %dma_wait3A_143, %dma_wait3A_144] : memref<3x80x128xf32, #tpu.memory_space<vmem>> -> memref<1x80x128xf32, #tpu.memory_space<vmem>>
        %dma_wait3A_146 = tpu.memref_squeeze %dma_wait3A_145 : memref<1x80x128xf32, #tpu.memory_space<vmem>> -> memref<80x128xf32, #tpu.memory_space<vmem>>
        %dma_wait3A_147 = tpu.memref_slice %arg8[%mul3A_103] : memref<10000xi32, #tpu.memory_space<vmem>> -> memref<80xi32, #tpu.memory_space<vmem>>
        %dma_wait3A_148 = arith.constant 0 : i32
        %dma_wait3A_149 = arith.constant 0 : i32
        %dma_wait3A_150 = tpu.memref_slice %arg10[%dma_wait3A_148, %dma_wait3A_149] : memref<10000x128xf32, #tpu.memory_space<vmem_shared>> -> memref<10000x128xf32, #tpu.memory_space<vmem_shared>>
        tpu.wait_indirect_dma semaphore(%run_scoped3A_134 : memref<!tpu.dma_semaphore, #tpu.memory_space<semaphore_mem>>) src(%dma_wait3A_146 : memref<80x128xf32, #tpu.memory_space<vmem>>) dst(%dma_wait3A_150 : memref<10000x128xf32, #tpu.memory_space<vmem_shared>>)
        tpu.yield
      }) : () -> ()
      %add3A_105 = arith.constant 3 : i32
      %add3A_106 = arith.addi %add3A_91, %add3A_105 : i32
      %lt3A_107 = arith.constant 125 : i32
      %lt3A_108 = arith.cmpi slt, %add3A_106, %lt3A_107 : i32
      %convert_element_type3A_109 = arith.extui %lt3A_108 : i1 to i32
      %cond3A_110 = arith.constant 0 : i32
      %cond3A_111 = arith.cmpi ne, %convert_element_type3A_109, %cond3A_110 : i32
      scf.if %cond3A_111 {
        %add3A_134 = arith.constant 3 : i32
        %add3A_135 = arith.addi %add3A_91, %add3A_134 : i32
        %mul3A_136 = arith.constant 80 : i32
        %mul3A_137 = arith.muli %add3A_135, %mul3A_136 : i32
        %dma_start3A_138 = arith.constant 1 : i32
        %dma_start3A_139 = arith.constant 0 : i32
        %dma_start3A_140 = arith.constant 0 : i32
        %dma_start3A_141 = tpu.memref_slice %arg9[%dma_start3A_138, %dma_start3A_139, %dma_start3A_140] : memref<3x80x128xf32, #tpu.memory_space<vmem>> -> memref<1x80x128xf32, #tpu.memory_space<vmem>>
        %dma_start3A_142 = tpu.memref_squeeze %dma_start3A_141 : memref<1x80x128xf32, #tpu.memory_space<vmem>> -> memref<80x128xf32, #tpu.memory_space<vmem>>
        %dma_start3A_143 = tpu.memref_slice %arg7[%mul3A_137] : memref<10000xi32, #tpu.memory_space<vmem>> -> memref<80xi32, #tpu.memory_space<vmem>>
        %dma_start3A_144 = arith.constant 0 : i32
        %dma_start3A_145 = arith.constant 0 : i32
        %dma_start3A_146 = tpu.memref_slice %arg2[%dma_start3A_144, %dma_start3A_145] : memref<10000x128xf32, #tpu.memory_space<hbm>> -> memref<10000x128xf32, #tpu.memory_space<hbm>>
        tpu.enqueue_indirect_dma source(%dma_start3A_146 : memref<10000x128xf32, #tpu.memory_space<hbm>>) target(%dma_start3A_142 : memref<80x128xf32, #tpu.memory_space<vmem>>) offsets(%dma_start3A_143 : memref<80xi32, #tpu.memory_space<vmem>>) semaphore(%arg12 : memref<!tpu.dma_semaphore, #tpu.memory_space<semaphore_mem>>)
      } else {
      }
      %add3A_112 = arith.constant 2 : i32
      %add3A_113 = arith.addi %mul3A_67, %add3A_112 : i32
      %dma_wait3A_114 = arith.constant 2 : i32
      %dma_wait3A_115 = arith.constant 0 : i32
      %dma_wait3A_116 = arith.constant 0 : i32
      %dma_wait3A_117 = tpu.memref_slice %arg9[%dma_wait3A_114, %dma_wait3A_115, %dma_wait3A_116] : memref<3x80x128xf32, #tpu.memory_space<vmem>> -> memref<1x80x128xf32, #tpu.memory_space<vmem>>
      %dma_wait3A_118 = tpu.memref_squeeze %dma_wait3A_117 : memref<1x80x128xf32, #tpu.memory_space<vmem>> -> memref<80x128xf32, #tpu.memory_space<vmem>>
      %dma_wait3A_119 = arith.constant 160 : i32
      %dma_wait3A_120 = tpu.memref_slice %arg7[%dma_wait3A_119] : memref<10000xi32, #tpu.memory_space<vmem>> -> memref<80xi32, #tpu.memory_space<vmem>>
      %dma_wait3A_121 = arith.constant 0 : i32
      %dma_wait3A_122 = arith.constant 0 : i32
      %dma_wait3A_123 = tpu.memref_slice %arg2[%dma_wait3A_121, %dma_wait3A_122] : memref<10000x128xf32, #tpu.memory_space<hbm>> -> memref<10000x128xf32, #tpu.memory_space<hbm>>
      tpu.wait_indirect_dma semaphore(%arg13 : memref<!tpu.dma_semaphore, #tpu.memory_space<semaphore_mem>>) src(%dma_wait3A_123 : memref<10000x128xf32, #tpu.memory_space<hbm>>) dst(%dma_wait3A_118 : memref<80x128xf32, #tpu.memory_space<vmem>>)
      %mul3A_124 = arith.constant 80 : i32
      %mul3A_125 = arith.muli %add3A_113, %mul3A_124 : i32
      %run_scoped3A_126 = arith.constant 2 : i32
      "tpu.region"() ({
        %run_scoped3A_134 = tpu.sem_alloc : memref<!tpu.dma_semaphore, #tpu.memory_space<semaphore_mem>>
        %dma_start3A_135 = arith.constant 0 : i32
        %dma_start3A_136 = arith.constant 0 : i32
        %dma_start3A_137 = tpu.memref_slice %arg9[%run_scoped3A_126, %dma_start3A_135, %dma_start3A_136] : memref<3x80x128xf32, #tpu.memory_space<vmem>> -> memref<1x80x128xf32, #tpu.memory_space<vmem>>
        %dma_start3A_138 = tpu.memref_squeeze %dma_start3A_137 : memref<1x80x128xf32, #tpu.memory_space<vmem>> -> memref<80x128xf32, #tpu.memory_space<vmem>>
        %dma_start3A_139 = tpu.memref_slice %arg8[%mul3A_125] : memref<10000xi32, #tpu.memory_space<vmem>> -> memref<80xi32, #tpu.memory_space<vmem>>
        %dma_start3A_140 = arith.constant 0 : i32
        %dma_start3A_141 = arith.constant 0 : i32
        %dma_start3A_142 = tpu.memref_slice %arg10[%dma_start3A_140, %dma_start3A_141] : memref<10000x128xf32, #tpu.memory_space<vmem_shared>> -> memref<10000x128xf32, #tpu.memory_space<vmem_shared>>
        tpu.enqueue_indirect_dma source(%dma_start3A_138 : memref<80x128xf32, #tpu.memory_space<vmem>>) target(%dma_start3A_142 : memref<10000x128xf32, #tpu.memory_space<vmem_shared>>) offsets(%dma_start3A_139 : memref<80xi32, #tpu.memory_space<vmem>>) semaphore(%run_scoped3A_134 : memref<!tpu.dma_semaphore, #tpu.memory_space<semaphore_mem>>) {add = true}
        %dma_wait3A_143 = arith.constant 0 : i32
        %dma_wait3A_144 = arith.constant 0 : i32
        %dma_wait3A_145 = tpu.memref_slice %arg9[%run_scoped3A_126, %dma_wait3A_143, %dma_wait3A_144] : memref<3x80x128xf32, #tpu.memory_space<vmem>> -> memref<1x80x128xf32, #tpu.memory_space<vmem>>
        %dma_wait3A_146 = tpu.memref_squeeze %dma_wait3A_145 : memref<1x80x128xf32, #tpu.memory_space<vmem>> -> memref<80x128xf32, #tpu.memory_space<vmem>>
        %dma_wait3A_147 = tpu.memref_slice %arg8[%mul3A_125] : memref<10000xi32, #tpu.memory_space<vmem>> -> memref<80xi32, #tpu.memory_space<vmem>>
        %dma_wait3A_148 = arith.constant 0 : i32
        %dma_wait3A_149 = arith.constant 0 : i32
        %dma_wait3A_150 = tpu.memref_slice %arg10[%dma_wait3A_148, %dma_wait3A_149] : memref<10000x128xf32, #tpu.memory_space<vmem_shared>> -> memref<10000x128xf32, #tpu.memory_space<vmem_shared>>
        tpu.wait_indirect_dma semaphore(%run_scoped3A_134 : memref<!tpu.dma_semaphore, #tpu.memory_space<semaphore_mem>>) src(%dma_wait3A_146 : memref<80x128xf32, #tpu.memory_space<vmem>>) dst(%dma_wait3A_150 : memref<10000x128xf32, #tpu.memory_space<vmem_shared>>)
        tpu.yield
      }) : () -> ()
      %add3A_127 = arith.constant 3 : i32
      %add3A_128 = arith.addi %add3A_113, %add3A_127 : i32
      %lt3A_129 = arith.constant 125 : i32
      %lt3A_130 = arith.cmpi slt, %add3A_128, %lt3A_129 : i32
      %convert_element_type3A_131 = arith.extui %lt3A_130 : i1 to i32
      %cond3A_132 = arith.constant 0 : i32
      %cond3A_133 = arith.cmpi ne, %convert_element_type3A_131, %cond3A_132 : i32
      scf.if %cond3A_133 {
        %add3A_134 = arith.constant 3 : i32
        %add3A_135 = arith.addi %add3A_113, %add3A_134 : i32
        %mul3A_136 = arith.constant 80 : i32
        %mul3A_137 = arith.muli %add3A_135, %mul3A_136 : i32
        %dma_start3A_138 = arith.constant 2 : i32
        %dma_start3A_139 = arith.constant 0 : i32
        %dma_start3A_140 = arith.constant 0 : i32
        %dma_start3A_141 = tpu.memref_slice %arg9[%dma_start3A_138, %dma_start3A_139, %dma_start3A_140] : memref<3x80x128xf32, #tpu.memory_space<vmem>> -> memref<1x80x128xf32, #tpu.memory_space<vmem>>
        %dma_start3A_142 = tpu.memref_squeeze %dma_start3A_141 : memref<1x80x128xf32, #tpu.memory_space<vmem>> -> memref<80x128xf32, #tpu.memory_space<vmem>>
        %dma_start3A_143 = tpu.memref_slice %arg7[%mul3A_137] : memref<10000xi32, #tpu.memory_space<vmem>> -> memref<80xi32, #tpu.memory_space<vmem>>
        %dma_start3A_144 = arith.constant 0 : i32
        %dma_start3A_145 = arith.constant 0 : i32
        %dma_start3A_146 = tpu.memref_slice %arg2[%dma_start3A_144, %dma_start3A_145] : memref<10000x128xf32, #tpu.memory_space<hbm>> -> memref<10000x128xf32, #tpu.memory_space<hbm>>
        tpu.enqueue_indirect_dma source(%dma_start3A_146 : memref<10000x128xf32, #tpu.memory_space<hbm>>) target(%dma_start3A_142 : memref<80x128xf32, #tpu.memory_space<vmem>>) offsets(%dma_start3A_143 : memref<80xi32, #tpu.memory_space<vmem>>) semaphore(%arg13 : memref<!tpu.dma_semaphore, #tpu.memory_space<semaphore_mem>>)
      } else {
      }
    }
    %scan3A_38 = arith.constant 41 : i32
    %dma_wait3A = arith.constant 0 : i32
    %dma_wait3A_39 = arith.constant 0 : i32
    %dma_wait3A_40 = arith.constant 0 : i32
    %dma_wait3A_41 = tpu.memref_slice %arg9[%dma_wait3A, %dma_wait3A_39, %dma_wait3A_40] : memref<3x80x128xf32, #tpu.memory_space<vmem>> -> memref<1x80x128xf32, #tpu.memory_space<vmem>>
    %dma_wait3A_42 = tpu.memref_squeeze %dma_wait3A_41 : memref<1x80x128xf32, #tpu.memory_space<vmem>> -> memref<80x128xf32, #tpu.memory_space<vmem>>
    %dma_wait3A_43 = arith.constant 0 : i32
    %dma_wait3A_44 = tpu.memref_slice %arg7[%dma_wait3A_43] : memref<10000xi32, #tpu.memory_space<vmem>> -> memref<80xi32, #tpu.memory_space<vmem>>
    %dma_wait3A_45 = arith.constant 0 : i32
    %dma_wait3A_46 = arith.constant 0 : i32
    %dma_wait3A_47 = tpu.memref_slice %arg2[%dma_wait3A_45, %dma_wait3A_46] : memref<10000x128xf32, #tpu.memory_space<hbm>> -> memref<10000x128xf32, #tpu.memory_space<hbm>>
    tpu.wait_indirect_dma semaphore(%arg11 : memref<!tpu.dma_semaphore, #tpu.memory_space<semaphore_mem>>) src(%dma_wait3A_47 : memref<10000x128xf32, #tpu.memory_space<hbm>>) dst(%dma_wait3A_42 : memref<80x128xf32, #tpu.memory_space<vmem>>)
    %run_scoped3A = arith.constant 0 : i32
    "tpu.region"() ({
      %run_scoped3A_65 = tpu.sem_alloc : memref<!tpu.dma_semaphore, #tpu.memory_space<semaphore_mem>>
      %dma_start3A_66 = arith.constant 0 : i32
      %dma_start3A_67 = arith.constant 0 : i32
      %dma_start3A_68 = tpu.memref_slice %arg9[%run_scoped3A, %dma_start3A_66, %dma_start3A_67] : memref<3x80x128xf32, #tpu.memory_space<vmem>> -> memref<1x80x128xf32, #tpu.memory_space<vmem>>
      %dma_start3A_69 = tpu.memref_squeeze %dma_start3A_68 : memref<1x80x128xf32, #tpu.memory_space<vmem>> -> memref<80x128xf32, #tpu.memory_space<vmem>>
      %dma_start3A_70 = arith.constant 9840 : i32
      %dma_start3A_71 = tpu.memref_slice %arg8[%dma_start3A_70] : memref<10000xi32, #tpu.memory_space<vmem>> -> memref<80xi32, #tpu.memory_space<vmem>>
      %dma_start3A_72 = arith.constant 0 : i32
      %dma_start3A_73 = arith.constant 0 : i32
      %dma_start3A_74 = tpu.memref_slice %arg10[%dma_start3A_72, %dma_start3A_73] : memref<10000x128xf32, #tpu.memory_space<vmem_shared>> -> memref<10000x128xf32, #tpu.memory_space<vmem_shared>>
      tpu.enqueue_indirect_dma source(%dma_start3A_69 : memref<80x128xf32, #tpu.memory_space<vmem>>) target(%dma_start3A_74 : memref<10000x128xf32, #tpu.memory_space<vmem_shared>>) offsets(%dma_start3A_71 : memref<80xi32, #tpu.memory_space<vmem>>) semaphore(%run_scoped3A_65 : memref<!tpu.dma_semaphore, #tpu.memory_space<semaphore_mem>>) {add = true}
      %dma_wait3A_75 = arith.constant 0 : i32
      %dma_wait3A_76 = arith.constant 0 : i32
      %dma_wait3A_77 = tpu.memref_slice %arg9[%run_scoped3A, %dma_wait3A_75, %dma_wait3A_76] : memref<3x80x128xf32, #tpu.memory_space<vmem>> -> memref<1x80x128xf32, #tpu.memory_space<vmem>>
      %dma_wait3A_78 = tpu.memref_squeeze %dma_wait3A_77 : memref<1x80x128xf32, #tpu.memory_space<vmem>> -> memref<80x128xf32, #tpu.memory_space<vmem>>
      %dma_wait3A_79 = arith.constant 9840 : i32
      %dma_wait3A_80 = tpu.memref_slice %arg8[%dma_wait3A_79] : memref<10000xi32, #tpu.memory_space<vmem>> -> memref<80xi32, #tpu.memory_space<vmem>>
      %dma_wait3A_81 = arith.constant 0 : i32
      %dma_wait3A_82 = arith.constant 0 : i32
      %dma_wait3A_83 = tpu.memref_slice %arg10[%dma_wait3A_81, %dma_wait3A_82] : memref<10000x128xf32, #tpu.memory_space<vmem_shared>> -> memref<10000x128xf32, #tpu.memory_space<vmem_shared>>
      tpu.wait_indirect_dma semaphore(%run_scoped3A_65 : memref<!tpu.dma_semaphore, #tpu.memory_space<semaphore_mem>>) src(%dma_wait3A_78 : memref<80x128xf32, #tpu.memory_space<vmem>>) dst(%dma_wait3A_83 : memref<10000x128xf32, #tpu.memory_space<vmem_shared>>)
      tpu.yield
    }) : () -> ()
    %dma_wait3A_48 = arith.constant 1 : i32
    %dma_wait3A_49 = arith.constant 0 : i32
    %dma_wait3A_50 = arith.constant 0 : i32
    %dma_wait3A_51 = tpu.memref_slice %arg9[%dma_wait3A_48, %dma_wait3A_49, %dma_wait3A_50] : memref<3x80x128xf32, #tpu.memory_space<vmem>> -> memref<1x80x128xf32, #tpu.memory_space<vmem>>
    %dma_wait3A_52 = tpu.memref_squeeze %dma_wait3A_51 : memref<1x80x128xf32, #tpu.memory_space<vmem>> -> memref<80x128xf32, #tpu.memory_space<vmem>>
    %dma_wait3A_53 = arith.constant 80 : i32
    %dma_wait3A_54 = tpu.memref_slice %arg7[%dma_wait3A_53] : memref<10000xi32, #tpu.memory_space<vmem>> -> memref<80xi32, #tpu.memory_space<vmem>>
    %dma_wait3A_55 = arith.constant 0 : i32
    %dma_wait3A_56 = arith.constant 0 : i32
    %dma_wait3A_57 = tpu.memref_slice %arg2[%dma_wait3A_55, %dma_wait3A_56] : memref<10000x128xf32, #tpu.memory_space<hbm>> -> memref<10000x128xf32, #tpu.memory_space<hbm>>
    tpu.wait_indirect_dma semaphore(%arg12 : memref<!tpu.dma_semaphore, #tpu.memory_space<semaphore_mem>>) src(%dma_wait3A_57 : memref<10000x128xf32, #tpu.memory_space<hbm>>) dst(%dma_wait3A_52 : memref<80x128xf32, #tpu.memory_space<vmem>>)
    %run_scoped3A_58 = arith.constant 1 : i32
    "tpu.region"() ({
      %run_scoped3A_65 = tpu.sem_alloc : memref<!tpu.dma_semaphore, #tpu.memory_space<semaphore_mem>>
      %dma_start3A_66 = arith.constant 0 : i32
      %dma_start3A_67 = arith.constant 0 : i32
      %dma_start3A_68 = tpu.memref_slice %arg9[%run_scoped3A_58, %dma_start3A_66, %dma_start3A_67] : memref<3x80x128xf32, #tpu.memory_space<vmem>> -> memref<1x80x128xf32, #tpu.memory_space<vmem>>
      %dma_start3A_69 = tpu.memref_squeeze %dma_start3A_68 : memref<1x80x128xf32, #tpu.memory_space<vmem>> -> memref<80x128xf32, #tpu.memory_space<vmem>>
      %dma_start3A_70 = arith.constant 9920 : i32
      %dma_start3A_71 = tpu.memref_slice %arg8[%dma_start3A_70] : memref<10000xi32, #tpu.memory_space<vmem>> -> memref<80xi32, #tpu.memory_space<vmem>>
      %dma_start3A_72 = arith.constant 0 : i32
      %dma_start3A_73 = arith.constant 0 : i32
      %dma_start3A_74 = tpu.memref_slice %arg10[%dma_start3A_72, %dma_start3A_73] : memref<10000x128xf32, #tpu.memory_space<vmem_shared>> -> memref<10000x128xf32, #tpu.memory_space<vmem_shared>>
      tpu.enqueue_indirect_dma source(%dma_start3A_69 : memref<80x128xf32, #tpu.memory_space<vmem>>) target(%dma_start3A_74 : memref<10000x128xf32, #tpu.memory_space<vmem_shared>>) offsets(%dma_start3A_71 : memref<80xi32, #tpu.memory_space<vmem>>) semaphore(%run_scoped3A_65 : memref<!tpu.dma_semaphore, #tpu.memory_space<semaphore_mem>>) {add = true}
      %dma_wait3A_75 = arith.constant 0 : i32
      %dma_wait3A_76 = arith.constant 0 : i32
      %dma_wait3A_77 = tpu.memref_slice %arg9[%run_scoped3A_58, %dma_wait3A_75, %dma_wait3A_76] : memref<3x80x128xf32, #tpu.memory_space<vmem>> -> memref<1x80x128xf32, #tpu.memory_space<vmem>>
      %dma_wait3A_78 = tpu.memref_squeeze %dma_wait3A_77 : memref<1x80x128xf32, #tpu.memory_space<vmem>> -> memref<80x128xf32, #tpu.memory_space<vmem>>
      %dma_wait3A_79 = arith.constant 9920 : i32
      %dma_wait3A_80 = tpu.memref_slice %arg8[%dma_wait3A_79] : memref<10000xi32, #tpu.memory_space<vmem>> -> memref<80xi32, #tpu.memory_space<vmem>>
      %dma_wait3A_81 = arith.constant 0 : i32
      %dma_wait3A_82 = arith.constant 0 : i32
      %dma_wait3A_83 = tpu.memref_slice %arg10[%dma_wait3A_81, %dma_wait3A_82] : memref<10000x128xf32, #tpu.memory_space<vmem_shared>> -> memref<10000x128xf32, #tpu.memory_space<vmem_shared>>
      tpu.wait_indirect_dma semaphore(%run_scoped3A_65 : memref<!tpu.dma_semaphore, #tpu.memory_space<semaphore_mem>>) src(%dma_wait3A_78 : memref<80x128xf32, #tpu.memory_space<vmem>>) dst(%dma_wait3A_83 : memref<10000x128xf32, #tpu.memory_space<vmem_shared>>)
      tpu.yield
    }) : () -> ()
    %barrier3A_59 = arith.constant 0 : index
    tpu.barrier barrier_id(%barrier3A_59)
    %lt3A_60 = arith.constant 5 : i32
    %lt3A_61 = arith.cmpi slt, %arg1, %lt3A_60 : i32
    %convert_element_type3A_62 = arith.extui %lt3A_61 : i1 to i32
    %cond3A_63 = arith.constant 0 : i32
    %cond3A_64 = arith.cmpi ne, %convert_element_type3A_62, %cond3A_63 : i32
    scf.if %cond3A_64 {
      %mul3A_65 = arith.constant 2000 : i32
      %mul3A_66 = arith.muli %arg1, %mul3A_65 : i32
      %mul3A_67 = arith.constant 2000 : i32
      %mul3A_68 = arith.muli %arg1, %mul3A_67 : i32
      "tpu.region"() ({
        %run_scoped3A_69 = tpu.sem_alloc : memref<!tpu.dma_semaphore, #tpu.memory_space<semaphore_mem>>
        %dma_start3A_70 = arith.constant 0 : i32
        %dma_start3A_71 = arith.constant 0 : i32
        %dma_start3A_72 = tpu.memref_slice %arg6[%arg0, %dma_start3A_70, %dma_start3A_71] : memref<2x10000x128xf32, #tpu.memory_space<hbm>> -> memref<1x10000x128xf32, #tpu.memory_space<hbm>>
        %dma_start3A_73 = tpu.memref_squeeze %dma_start3A_72 : memref<1x10000x128xf32, #tpu.memory_space<hbm>> -> memref<10000x128xf32, #tpu.memory_space<hbm>>
        %dma_start3A_74 = arith.constant 0 : i32
        %dma_start3A_75 = tpu.memref_slice %dma_start3A_73[%mul3A_68, %dma_start3A_74] : memref<10000x128xf32, #tpu.memory_space<hbm>> -> memref<2000x128xf32, #tpu.memory_space<hbm>>
        %dma_start3A_76 = arith.constant 0 : i32
        %dma_start3A_77 = tpu.memref_slice %arg10[%mul3A_66, %dma_start3A_76] : memref<10000x128xf32, #tpu.memory_space<vmem_shared>> -> memref<2000x128xf32, #tpu.memory_space<vmem_shared>>
        tpu.enqueue_dma source(%dma_start3A_77 : memref<2000x128xf32, #tpu.memory_space<vmem_shared>>) target(%dma_start3A_75 : memref<2000x128xf32, #tpu.memory_space<hbm>>) target_semaphore(%run_scoped3A_69 : memref<!tpu.dma_semaphore, #tpu.memory_space<semaphore_mem>>)
        %dma_wait3A_78 = arith.constant 0 : i32
        %dma_wait3A_79 = arith.constant 0 : i32
        %dma_wait3A_80 = tpu.memref_slice %arg6[%arg0, %dma_wait3A_78, %dma_wait3A_79] : memref<2x10000x128xf32, #tpu.memory_space<hbm>> -> memref<1x10000x128xf32, #tpu.memory_space<hbm>>
        %dma_wait3A_81 = tpu.memref_squeeze %dma_wait3A_80 : memref<1x10000x128xf32, #tpu.memory_space<hbm>> -> memref<10000x128xf32, #tpu.memory_space<hbm>>
        %dma_wait3A_82 = arith.constant 0 : i32
        %dma_wait3A_83 = tpu.memref_slice %dma_wait3A_81[%mul3A_68, %dma_wait3A_82] : memref<10000x128xf32, #tpu.memory_space<hbm>> -> memref<2000x128xf32, #tpu.memory_space<hbm>>
        %dma_wait3A_84 = arith.constant 0 : i32
        %dma_wait3A_85 = tpu.memref_slice %arg10[%mul3A_66, %dma_wait3A_84] : memref<10000x128xf32, #tpu.memory_space<vmem_shared>> -> memref<2000x128xf32, #tpu.memory_space<vmem_shared>>
        tpu.wait_dma2 semaphore(%run_scoped3A_69 : memref<!tpu.dma_semaphore, #tpu.memory_space<semaphore_mem>>) src(%dma_wait3A_85 : memref<2000x128xf32, #tpu.memory_space<vmem_shared>>) dst(%dma_wait3A_83 : memref<2000x128xf32, #tpu.memory_space<hbm>>)
        tpu.yield
      }) : () -> ()
    } else {
    }
    return
  }
}

module attributes {stable_mosaic.version = 14 : i64} {
  func.func @_tc_g1_body(%arg0: i32, %arg1: memref<2000x128xf32, #tpu.memory_space<vmem>>, %arg2: memref<128x128xf32, #tpu.memory_space<vmem>>, %arg3: memref<2000x1xf32, #tpu.memory_space<vmem>>, %arg4: memref<2000x1xf32, #tpu.memory_space<vmem>>, %arg5: memref<2000x128xf32, #tpu.memory_space<vmem>>) attributes {dimension_semantics = [#tpu.dimension_semantics<arbitrary>], iteration_bounds = array<i64: 5>, scalar_prefetch = 0 : i64, scratch_operands = 0 : i64, tpu.core_type = #tpu.core_type<tc>, window_params = [{transform_indices = @transform_0, window_bounds = array<i64: 2000, 128>}, {pipeline_mode = #tpu.pipeline_mode<synchronous>, transform_indices = @transform_1, window_bounds = array<i64: 128, 128>}, {transform_indices = @transform_2, window_bounds = array<i64: 2000, 1>}, {transform_indices = @transform_3, window_bounds = array<i64: 2000, 1>}, {transform_indices = @transform_4, window_bounds = array<i64: 2000, 128>}]} {
    %get3A = arith.constant 0 : index
    %get3A_0 = arith.constant 0 : index
    %get3A_1 = vector.load %arg3[%get3A, %get3A_0] : memref<2000x1xf32, #tpu.memory_space<vmem>>, vector<2000x1xf32>
    %get3A_2 = arith.constant 0 : index
    %get3A_3 = arith.constant 0 : index
    %get3A_4 = vector.load %arg4[%get3A_2, %get3A_3] : memref<2000x1xf32, #tpu.memory_space<vmem>>, vector<2000x1xf32>
    %add3A = arith.addf %get3A_1, %get3A_4 : vector<2000x1xf32>
    %add3A_5 = arith.constant 1.000000e+00 : f32
    %add3A_6 = vector.broadcast %add3A_5 : f32 to vector<2000x1xf32>
    %add3A_7 = arith.addf %add3A, %add3A_6 : vector<2000x1xf32>
    %rsqrt3A = math.rsqrt %add3A_7 : vector<2000x1xf32>
    %get3A_8 = arith.constant 0 : index
    %get3A_9 = arith.constant 0 : index
    %get3A_10 = vector.load %arg1[%get3A_8, %get3A_9] : memref<2000x128xf32, #tpu.memory_space<vmem>>, vector<2000x128xf32>
    %get3A_11 = arith.constant 0 : index
    %get3A_12 = arith.constant 0 : index
    %get3A_13 = vector.load %arg2[%get3A_11, %get3A_12] : memref<128x128xf32, #tpu.memory_space<vmem>>, vector<128x128xf32>
    %dot_general3A = arith.constant dense<0.000000e+00> : vector<2000x128xf32>
    %dot_general3A_14 = tpu.matmul %get3A_10, %get3A_13, %dot_general3A {dimension_numbers = #tpu.dot_dimension_numbers<[1], [0], [0], [1], [0, 0, 1, 1], [], []>, transpose_lhs_hint = false} : vector<2000x128xf32>, vector<128x128xf32>, vector<2000x128xf32> -> vector<2000x128xf32>
    %mul3A = vector.broadcast %rsqrt3A : vector<2000x1xf32> to vector<2000x128xf32>
    %mul3A_15 = arith.mulf %mul3A, %dot_general3A_14 : vector<2000x128xf32>
    %swap3A = arith.constant 0 : index
    %swap3A_16 = arith.constant 0 : index
    %swap3A_17 = vector.load %arg5[%swap3A, %swap3A_16] : memref<2000x128xf32, #tpu.memory_space<vmem>>, vector<2000x128xf32>
    tpu.vector_store %arg5[%swap3A, %swap3A_16], %mul3A_15 {strides = array<i32>} : memref<2000x128xf32, #tpu.memory_space<vmem>>, vector<2000x128xf32>,
    return
  }
  func.func @transform_0(%arg0: i32) -> (i32, i32) {
    %c0_i32 = arith.constant 0 : i32
    %c0_i32_0 = arith.constant 0 : i32
    return %arg0, %c0_i32 : i32, i32
  }
  func.func @transform_1(%arg0: i32) -> (i32, i32) {
    %c0_i32 = arith.constant 0 : i32
    %c0_i32_0 = arith.constant 0 : i32
    %c0_i32_1 = arith.constant 0 : i32
    return %c0_i32, %c0_i32_0 : i32, i32
  }
  func.func @transform_2(%arg0: i32) -> (i32, i32) {
    %c0_i32 = arith.constant 0 : i32
    %c0_i32_0 = arith.constant 0 : i32
    return %arg0, %c0_i32 : i32, i32
  }
  func.func @transform_3(%arg0: i32) -> (i32, i32) {
    %c0_i32 = arith.constant 0 : i32
    %c0_i32_0 = arith.constant 0 : i32
    return %arg0, %c0_i32 : i32, i32
  }
  func.func @transform_4(%arg0: i32) -> (i32, i32) {
    %c0_i32 = arith.constant 0 : i32
    %c0_i32_0 = arith.constant 0 : i32
    return %arg0, %c0_i32 : i32, i32
  }
}

module attributes {stable_mosaic.version = 14 : i64} {
  func.func @_tc_mid_body(%arg0: i32, %arg1: memref<2x2000x128xf32, #tpu.memory_space<vmem>>, %arg2: memref<2000x128xf32, #tpu.memory_space<vmem>>, %arg3: memref<2000x1xf32, #tpu.memory_space<vmem>>, %arg4: memref<2000x1xf32, #tpu.memory_space<vmem>>, %arg5: memref<1x128xf32, #tpu.memory_space<vmem>>, %arg6: memref<128x128xf32, #tpu.memory_space<vmem>>, %arg7: memref<2000x128xf32, #tpu.memory_space<vmem>>) attributes {dimension_semantics = [#tpu.dimension_semantics<arbitrary>], iteration_bounds = array<i64: 5>, scalar_prefetch = 0 : i64, scratch_operands = 0 : i64, tpu.core_type = #tpu.core_type<tc>, window_params = [{transform_indices = @transform_0, window_bounds = array<i64: 2, 2000, 128>}, {transform_indices = @transform_1, window_bounds = array<i64: 2000, 128>}, {transform_indices = @transform_2, window_bounds = array<i64: 2000, 1>}, {transform_indices = @transform_3, window_bounds = array<i64: 2000, 1>}, {pipeline_mode = #tpu.pipeline_mode<synchronous>, transform_indices = @transform_4, window_bounds = array<i64: 1, 128>}, {pipeline_mode = #tpu.pipeline_mode<synchronous>, transform_indices = @transform_5, window_bounds = array<i64: 128, 128>}, {transform_indices = @transform_6, window_bounds = array<i64: 2000, 128>}]} {
    %get3A = arith.constant 0 : index
    %get3A_0 = arith.constant 0 : index
    %get3A_1 = vector.load %arg3[%get3A, %get3A_0] : memref<2000x1xf32, #tpu.memory_space<vmem>>, vector<2000x1xf32>
    %get3A_2 = arith.constant 0 : index
    %get3A_3 = arith.constant 0 : index
    %get3A_4 = vector.load %arg4[%get3A_2, %get3A_3] : memref<2000x1xf32, #tpu.memory_space<vmem>>, vector<2000x1xf32>
    %add3A = arith.addf %get3A_1, %get3A_4 : vector<2000x1xf32>
    %add3A_5 = arith.constant 1.000000e+00 : f32
    %add3A_6 = vector.broadcast %add3A_5 : f32 to vector<2000x1xf32>
    %add3A_7 = arith.addf %add3A, %add3A_6 : vector<2000x1xf32>
    %rsqrt3A = math.rsqrt %add3A_7 : vector<2000x1xf32>
    %get3A_8 = arith.constant 0 : index
    %get3A_9 = arith.constant 0 : index
    %get3A_10 = arith.constant 0 : index
    %get3A_11 = vector.load %arg1[%get3A_8, %get3A_9, %get3A_10] : memref<2x2000x128xf32, #tpu.memory_space<vmem>>, vector<1x2000x128xf32>
    %get3A_12 = vector.shape_cast %get3A_11 : vector<1x2000x128xf32> to vector<2000x128xf32>
    %get3A_13 = arith.constant 1 : index
    %get3A_14 = arith.constant 0 : index
    %get3A_15 = arith.constant 0 : index
    %get3A_16 = vector.load %arg1[%get3A_13, %get3A_14, %get3A_15] : memref<2x2000x128xf32, #tpu.memory_space<vmem>>, vector<1x2000x128xf32>
    %get3A_17 = vector.shape_cast %get3A_16 : vector<1x2000x128xf32> to vector<2000x128xf32>
    %add3A_18 = arith.addf %get3A_12, %get3A_17 : vector<2000x128xf32>
    %get3A_19 = arith.constant 0 : index
    %get3A_20 = arith.constant 0 : index
    %get3A_21 = vector.load %arg2[%get3A_19, %get3A_20] : memref<2000x128xf32, #tpu.memory_space<vmem>>, vector<2000x128xf32>
    %add3A_22 = arith.addf %add3A_18, %get3A_21 : vector<2000x128xf32>
    %mul3A = vector.broadcast %rsqrt3A : vector<2000x1xf32> to vector<2000x128xf32>
    %mul3A_23 = arith.mulf %mul3A, %add3A_22 : vector<2000x128xf32>
    %get3A_24 = arith.constant 0 : index
    %get3A_25 = arith.constant 0 : index
    %get3A_26 = vector.load %arg5[%get3A_24, %get3A_25] : memref<1x128xf32, #tpu.memory_space<vmem>>, vector<1x128xf32>
    %add3A_27 = vector.broadcast %get3A_26 : vector<1x128xf32> to vector<2000x128xf32>
    %add3A_28 = arith.addf %mul3A_23, %add3A_27 : vector<2000x128xf32>
    %max3A = arith.constant 0.000000e+00 : f32
    %max3A_29 = vector.broadcast %max3A : f32 to vector<2000x128xf32>
    %max3A_30 = arith.maximumf %add3A_28, %max3A_29 : vector<2000x128xf32>
    %get3A_31 = arith.constant 0 : index
    %get3A_32 = arith.constant 0 : index
    %get3A_33 = vector.load %arg6[%get3A_31, %get3A_32] : memref<128x128xf32, #tpu.memory_space<vmem>>, vector<128x128xf32>
    %dot_general3A = arith.constant dense<0.000000e+00> : vector<2000x128xf32>
    %dot_general3A_34 = tpu.matmul %max3A_30, %get3A_33, %dot_general3A {dimension_numbers = #tpu.dot_dimension_numbers<[1], [0], [0], [1], [0, 0, 1, 1], [], []>, transpose_lhs_hint = false} : vector<2000x128xf32>, vector<128x128xf32>, vector<2000x128xf32> -> vector<2000x128xf32>
    %mul3A_35 = vector.broadcast %rsqrt3A : vector<2000x1xf32> to vector<2000x128xf32>
    %mul3A_36 = arith.mulf %mul3A_35, %dot_general3A_34 : vector<2000x128xf32>
    %swap3A = arith.constant 0 : index
    %swap3A_37 = arith.constant 0 : index
    %swap3A_38 = vector.load %arg7[%swap3A, %swap3A_37] : memref<2000x128xf32, #tpu.memory_space<vmem>>, vector<2000x128xf32>
    tpu.vector_store %arg7[%swap3A, %swap3A_37], %mul3A_36 {strides = array<i32>} : memref<2000x128xf32, #tpu.memory_space<vmem>>, vector<2000x128xf32>,
    return
  }
  func.func @transform_0(%arg0: i32) -> (i32, i32, i32) {
    %c0_i32 = arith.constant 0 : i32
    %c0_i32_0 = arith.constant 0 : i32
    %c0_i32_1 = arith.constant 0 : i32
    return %c0_i32, %arg0, %c0_i32_0 : i32, i32, i32
  }
  func.func @transform_1(%arg0: i32) -> (i32, i32) {
    %c0_i32 = arith.constant 0 : i32
    %c0_i32_0 = arith.constant 0 : i32
    return %arg0, %c0_i32 : i32, i32
  }
  func.func @transform_2(%arg0: i32) -> (i32, i32) {
    %c0_i32 = arith.constant 0 : i32
    %c0_i32_0 = arith.constant 0 : i32
    return %arg0, %c0_i32 : i32, i32
  }
  func.func @transform_3(%arg0: i32) -> (i32, i32) {
    %c0_i32 = arith.constant 0 : i32
    %c0_i32_0 = arith.constant 0 : i32
    return %arg0, %c0_i32 : i32, i32
  }
  func.func @transform_4(%arg0: i32) -> (i32, i32) {
    %c0_i32 = arith.constant 0 : i32
    %c0_i32_0 = arith.constant 0 : i32
    %c0_i32_1 = arith.constant 0 : i32
    return %c0_i32, %c0_i32_0 : i32, i32
  }
  func.func @transform_5(%arg0: i32) -> (i32, i32) {
    %c0_i32 = arith.constant 0 : i32
    %c0_i32_0 = arith.constant 0 : i32
    %c0_i32_1 = arith.constant 0 : i32
    return %c0_i32, %c0_i32_0 : i32, i32
  }
  func.func @transform_6(%arg0: i32) -> (i32, i32) {
    %c0_i32 = arith.constant 0 : i32
    %c0_i32_0 = arith.constant 0 : i32
    return %arg0, %c0_i32 : i32, i32
  }
}

module attributes {stable_mosaic.version = 14 : i64} {
  func.func @_tc_final_body(%arg0: i32, %arg1: memref<2x2000x128xf32, #tpu.memory_space<vmem>>, %arg2: memref<2000x128xf32, #tpu.memory_space<vmem>>, %arg3: memref<2000x1xf32, #tpu.memory_space<vmem>>, %arg4: memref<2000x1xf32, #tpu.memory_space<vmem>>, %arg5: memref<1x128xf32, #tpu.memory_space<vmem>>, %arg6: memref<128x40xf32, #tpu.memory_space<vmem>>, %arg7: memref<1x40xf32, #tpu.memory_space<vmem>>, %arg8: memref<2000x40xf32, #tpu.memory_space<vmem>>) attributes {dimension_semantics = [#tpu.dimension_semantics<arbitrary>], iteration_bounds = array<i64: 5>, scalar_prefetch = 0 : i64, scratch_operands = 0 : i64, tpu.core_type = #tpu.core_type<tc>, window_params = [{transform_indices = @transform_0, window_bounds = array<i64: 2, 2000, 128>}, {transform_indices = @transform_1, window_bounds = array<i64: 2000, 128>}, {transform_indices = @transform_2, window_bounds = array<i64: 2000, 1>}, {transform_indices = @transform_3, window_bounds = array<i64: 2000, 1>}, {pipeline_mode = #tpu.pipeline_mode<synchronous>, transform_indices = @transform_4, window_bounds = array<i64: 1, 128>}, {pipeline_mode = #tpu.pipeline_mode<synchronous>, transform_indices = @transform_5, window_bounds = array<i64: 128, 40>}, {pipeline_mode = #tpu.pipeline_mode<synchronous>, transform_indices = @transform_6, window_bounds = array<i64: 1, 40>}, {transform_indices = @transform_7, window_bounds = array<i64: 2000, 40>}]} {
    %get3A = arith.constant 0 : index
    %get3A_0 = arith.constant 0 : index
    %get3A_1 = vector.load %arg3[%get3A, %get3A_0] : memref<2000x1xf32, #tpu.memory_space<vmem>>, vector<2000x1xf32>
    %get3A_2 = arith.constant 0 : index
    %get3A_3 = arith.constant 0 : index
    %get3A_4 = vector.load %arg4[%get3A_2, %get3A_3] : memref<2000x1xf32, #tpu.memory_space<vmem>>, vector<2000x1xf32>
    %add3A = arith.addf %get3A_1, %get3A_4 : vector<2000x1xf32>
    %add3A_5 = arith.constant 1.000000e+00 : f32
    %add3A_6 = vector.broadcast %add3A_5 : f32 to vector<2000x1xf32>
    %add3A_7 = arith.addf %add3A, %add3A_6 : vector<2000x1xf32>
    %rsqrt3A = math.rsqrt %add3A_7 : vector<2000x1xf32>
    %get3A_8 = arith.constant 0 : index
    %get3A_9 = arith.constant 0 : index
    %get3A_10 = arith.constant 0 : index
    %get3A_11 = vector.load %arg1[%get3A_8, %get3A_9, %get3A_10] : memref<2x2000x128xf32, #tpu.memory_space<vmem>>, vector<1x2000x128xf32>
    %get3A_12 = vector.shape_cast %get3A_11 : vector<1x2000x128xf32> to vector<2000x128xf32>
    %get3A_13 = arith.constant 1 : index
    %get3A_14 = arith.constant 0 : index
    %get3A_15 = arith.constant 0 : index
    %get3A_16 = vector.load %arg1[%get3A_13, %get3A_14, %get3A_15] : memref<2x2000x128xf32, #tpu.memory_space<vmem>>, vector<1x2000x128xf32>
    %get3A_17 = vector.shape_cast %get3A_16 : vector<1x2000x128xf32> to vector<2000x128xf32>
    %add3A_18 = arith.addf %get3A_12, %get3A_17 : vector<2000x128xf32>
    %get3A_19 = arith.constant 0 : index
    %get3A_20 = arith.constant 0 : index
    %get3A_21 = vector.load %arg2[%get3A_19, %get3A_20] : memref<2000x128xf32, #tpu.memory_space<vmem>>, vector<2000x128xf32>
    %add3A_22 = arith.addf %add3A_18, %get3A_21 : vector<2000x128xf32>
    %mul3A = vector.broadcast %rsqrt3A : vector<2000x1xf32> to vector<2000x128xf32>
    %mul3A_23 = arith.mulf %mul3A, %add3A_22 : vector<2000x128xf32>
    %get3A_24 = arith.constant 0 : index
    %get3A_25 = arith.constant 0 : index
    %get3A_26 = vector.load %arg5[%get3A_24, %get3A_25] : memref<1x128xf32, #tpu.memory_space<vmem>>, vector<1x128xf32>
    %add3A_27 = vector.broadcast %get3A_26 : vector<1x128xf32> to vector<2000x128xf32>
    %add3A_28 = arith.addf %mul3A_23, %add3A_27 : vector<2000x128xf32>
    %get3A_29 = arith.constant 0 : index
    %get3A_30 = arith.constant 0 : index
    %get3A_31 = vector.load %arg6[%get3A_29, %get3A_30] : memref<128x40xf32, #tpu.memory_space<vmem>>, vector<128x40xf32>
    %dot_general3A = arith.constant dense<0.000000e+00> : vector<2000x40xf32>
    %dot_general3A_32 = tpu.matmul %add3A_28, %get3A_31, %dot_general3A {dimension_numbers = #tpu.dot_dimension_numbers<[1], [0], [0], [1], [0, 0, 1, 1], [], []>, transpose_lhs_hint = false} : vector<2000x128xf32>, vector<128x40xf32>, vector<2000x40xf32> -> vector<2000x40xf32>
    %get3A_33 = arith.constant 0 : index
    %get3A_34 = arith.constant 0 : index
    %get3A_35 = vector.load %arg7[%get3A_33, %get3A_34] : memref<1x40xf32, #tpu.memory_space<vmem>>, vector<1x40xf32>
    %add3A_36 = vector.broadcast %get3A_35 : vector<1x40xf32> to vector<2000x40xf32>
    %add3A_37 = arith.addf %dot_general3A_32, %add3A_36 : vector<2000x40xf32>
    %swap3A = arith.constant 0 : index
    %swap3A_38 = arith.constant 0 : index
    %swap3A_39 = vector.load %arg8[%swap3A, %swap3A_38] : memref<2000x40xf32, #tpu.memory_space<vmem>>, vector<2000x40xf32>
    tpu.vector_store %arg8[%swap3A, %swap3A_38], %add3A_37 {strides = array<i32>} : memref<2000x40xf32, #tpu.memory_space<vmem>>, vector<2000x40xf32>,
    return
  }
  func.func @transform_0(%arg0: i32) -> (i32, i32, i32) {
    %c0_i32 = arith.constant 0 : i32
    %c0_i32_0 = arith.constant 0 : i32
    %c0_i32_1 = arith.constant 0 : i32
    return %c0_i32, %arg0, %c0_i32_0 : i32, i32, i32
  }
  func.func @transform_1(%arg0: i32) -> (i32, i32) {
    %c0_i32 = arith.constant 0 : i32
    %c0_i32_0 = arith.constant 0 : i32
    return %arg0, %c0_i32 : i32, i32
  }
  func.func @transform_2(%arg0: i32) -> (i32, i32) {
    %c0_i32 = arith.constant 0 : i32
    %c0_i32_0 = arith.constant 0 : i32
    return %arg0, %c0_i32 : i32, i32
  }
  func.func @transform_3(%arg0: i32) -> (i32, i32) {
    %c0_i32 = arith.constant 0 : i32
    %c0_i32_0 = arith.constant 0 : i32
    return %arg0, %c0_i32 : i32, i32
  }
  func.func @transform_4(%arg0: i32) -> (i32, i32) {
    %c0_i32 = arith.constant 0 : i32
    %c0_i32_0 = arith.constant 0 : i32
    %c0_i32_1 = arith.constant 0 : i32
    return %c0_i32, %c0_i32_0 : i32, i32
  }
  func.func @transform_5(%arg0: i32) -> (i32, i32) {
    %c0_i32 = arith.constant 0 : i32
    %c0_i32_0 = arith.constant 0 : i32
    %c0_i32_1 = arith.constant 0 : i32
    return %c0_i32, %c0_i32_0 : i32, i32
  }
  func.func @transform_6(%arg0: i32) -> (i32, i32) {
    %c0_i32 = arith.constant 0 : i32
    %c0_i32_0 = arith.constant 0 : i32
    %c0_i32_1 = arith.constant 0 : i32
    return %c0_i32, %c0_i32_0 : i32, i32
  }
  func.func @transform_7(%arg0: i32) -> (i32, i32) {
    %c0_i32 = arith.constant 0 : i32
    %c0_i32_0 = arith.constant 0 : i32
    return %arg0, %c0_i32 : i32, i32
  }
}

</mosaic_0001>

<sc_bundles>
// kernel: kernel.11.cloned.1.call-start
scs
__scs_entry_jumppad:
0x0: {  	(pc) =	sbr.rel $0x88, $3  }
0x1: {  	(tag) =	ssettag $0x0;
	lr =	simm.s32 $0x1  }
0x2: {  	[smem:$0x3F99] =	sst lr;
	_ =	strace $0xD0000000  }
0x3: {  	_ = 	snop  }
0x4: {  	_ = 	snop  }
0x5: {  	_ = 	snop  }
0x6: {  	_ = 	snop  }
0x7: {  	_ = 	snop  }
__scs_overlays_trampoline_lowered:
0x8: {  	[smem:$0x3FA8] =	sst s0  }
0x9: {  	[smem:$0x3FA9] =	sst s1  }
0xa: {  	[smem:$0x3FAA] =	sst s2  }
0xb: {  	[smem:$0x3FAB] =	sst s3  }
0xc: {  	[smem:$0x3FAC] =	sst s4  }
0xd: {  	[smem:$0x3FAD] =	sst s5  }
0xe: {  	[smem:$0x3FAE] =	sst s6  }
0xf: {  	[smem:$0x3FAF] =	sst s7  }
0x10: {  	[smem:$0x3FB0] =	sst s8  }
0x11: {  	[smem:$0x3FB1] =	sst s9;
	s0 =	simm.s32 @!p0 $0x0  }
0x12: {  	s1 =	sld [smem:$0x3F97];
	s0 =	simm.s32 @p0 $0x1  }
0x13: {  	[smem:$0x3FB2] =	sst s0;
	s0 =	simm.s32 @!p1 $0x0  }
0x14: {  	s2 =	sld [smem:$0x3F96];
	s0 =	simm.s32 @p1 $0x1  }
0x15: {  	[smem:$0x3FB3] =	sst s0;
	s0 =	simm.s32 @!p2 $0x0  }
0x16: {  	s3 =	sld [smem:$0x3FDB];
	s0 =	simm.s32 @p2 $0x1  }
0x17: {  	s4 =	simm.s32 $0x1BF5;
	[smem:$0x3FB5] =	sst s0  }
0x18: {  	s0 =	sld [smem:$0x3F98];
	_ =	swait.ge [sflag:s4], $0x0  }
0x19: {  	s7 =	sld [smem:$0x3F99]  }
0x1a: {  	s8 =	sadd.s32 $0xFFFFE003, lr  }
0x1b: {  	s9 =	sadd.s32 $0xFFFFFEF7, lr;
	s5 =	simm.s32 $0xFFFFFFFF;
	p2 =	slt.u32 s8, $0xFFFFF086  }
0x1c: {  	p1 =	slt.u32 s9, $0xF7A;
	s5 =	simm.s32 @!p2 $0x0  }
0x1d: {  	s5 =	simm.s32 @p1 $0x1;
	p0 =	seq.s32 s7, s2  }
0x1e: {  	s7 =	smul.u32 @!p0 $0xF7A, s2;
	p2 =	seq.s32 @!p0 s5, $0x0  }
0x1f: {  	s9 =	smul.u32 $0xF7A, s1;
	s8 =	simm.s32 @!p0 $0x1BF5;
	p2 =	por !p2, p0  }
0x20: {  	[sflag:s8] =	ssyncset.s32 @!p0 $0xFFFFF086;
	s6 =	sadd.s32 @!p0 s3, s7;
	s7 =	simm.s32 @!p0 $0x108  }
0x21: {  	s3 =	sadd.s32 s3, s9;
	s6 =	sadd.s32 @!p0 $0x88, s6;
	s7 =	simm.s32 @p2 $0x1082  }
0x22: {  	[simem:s7], [sflag:s8] =	dma.local @!p0 [hbm:s6], $0xF7A  }
0x23: {  	s9 =	sor.u32 $0xD0000000, s2;
	s6 =	simm.s32 $0x108;
	_ =	swait.ge @!p0 [sflag:s8], $0x0  }
0x24: {  	s3 =	sadd.s32 $0x88, s3;
	s6 =	simm.s32 @!p1 $0x1082;
	[sflag:s4] =	ssyncset.s32 $0xFFFFF086  }
0x25: {  	[simem:s6], [sflag:s4] =	dma.local [hbm:s3], $0xF7A  }
0x26: {  	[smem:$0x3F99] =	sst s1;
	(tag) =	ssettag s2;
	_ =	strace s9  }
0x27: {  	s1 =	sld [smem:$0x3FA9]  }
0x28: {  	s2 =	sld [smem:$0x3FAA]  }
0x29: {  	s4 =	sld [smem:$0x3FAC]  }
0x2a: {  	p0 =	seq.s32 s5, $0x0;
	s5 =	sld [smem:$0x3FAD]  }
0x2b: {  	s6 =	sld [smem:$0x3FAE]  }
0x2c: {  	s7 =	sld [smem:$0x3FAF]  }
0x2d: {  	s3 =	simm.s32 $0x108;
	s8 =	sld [smem:$0x3FB0]  }
0x2e: {  	s3 =	simm.s32 @!p0 $0x1082;
	s9 =	sld [smem:$0x3FB1]  }
0x2f: {  	lr =	sadd.s32 s0, s3;
	s0 =	sld [smem:$0x3FA8]  }
0x30: {  	s3 =	sld [smem:$0x3FAB]  }
0x31: {  	[smem:$0x3FB4] =	sst s10  }
0x32: {  	s10 =	sld [smem:$0x3FB2];
	_ =	sdelay $0x3  }
0x33: {  	p0 =	seq.s32 s10, $0x1;
	s10 =	sld [smem:$0x3FB4];
	_ =	sdelay $0x3  }
0x34: {  	[smem:$0x3FB4] =	sst s10  }
0x35: {  	s10 =	sld [smem:$0x3FB3];
	_ =	sdelay $0x3  }
0x36: {  	p1 =	seq.s32 s10, $0x1;
	s10 =	sld [smem:$0x3FB4];
	_ =	sdelay $0x3  }
0x37: {  	[smem:$0x3FB4] =	sst s10  }
0x38: {  	s10 =	sld [smem:$0x3FB5]  }
0x39: {  	_ = 	snop;
	(pc) =	sbr.ind lr, $3  }
0x3a: {  	_ = 	snop  }
0x3b: {  	_ = 	snop  }
0x3c: {  	p2 =	seq.s32 s10, $0x1;
	s10 =	sld [smem:$0x3FB4]  }
0x3d: {  	_ =	shalt  }
0x3e: {  	_ =	shalt  }
0x3f: {  	_ =	shalt  }
0x40: {  	_ =	shalt  }
0x41: {  	_ =	shalt  }
0x42: {  	_ =	shalt  }
0x43: {  	_ =	shalt  }
0x44: {  	_ =	shalt  }
0x45: {  	_ =	shalt  }
0x46: {  	_ =	shalt  }
0x47: {  	_ =	shalt  }
0x48: {  	_ =	shalt  }
0x49: {  	_ =	shalt  }
0x4a: {  	_ =	shalt  }
0x4b: {  	_ =	shalt  }
0x4c: {  	_ =	shalt  }
0x4d: {  	_ =	shalt  }
0x4e: {  	_ =	shalt  }
0x4f: {  	_ =	shalt  }
0x50: {  	_ =	shalt  }
0x51: {  	_ =	shalt  }
0x52: {  	_ =	shalt  }
0x53: {  	_ =	shalt  }
0x54: {  	_ =	shalt  }
0x55: {  	_ =	shalt  }
0x56: {  	_ =	shalt  }
0x57: {  	_ =	shalt  }
0x58: {  	_ =	shalt  }
0x59: {  	_ =	shalt  }
0x5a: {  	_ =	shalt  }
0x5b: {  	_ =	shalt  }
0x5c: {  	_ =	shalt  }
0x5d: {  	_ =	shalt  }
0x5e: {  	_ =	shalt  }
0x5f: {  	_ =	shalt  }
0x60: {  	_ =	shalt  }
0x61: {  	_ =	shalt  }
0x62: {  	_ =	shalt  }
0x63: {  	_ =	shalt  }
0x64: {  	_ =	shalt  }
0x65: {  	_ =	shalt  }
0x66: {  	_ =	shalt  }
0x67: {  	_ =	shalt  }
0x68: {  	_ =	shalt  }
0x69: {  	_ =	shalt  }
0x6a: {  	_ =	shalt  }
0x6b: {  	_ =	shalt  }
0x6c: {  	_ =	shalt  }
0x6d: {  	_ =	shalt  }
0x6e: {  	_ =	shalt  }
0x6f: {  	_ =	shalt  }
0x70: {  	_ =	shalt  }
0x71: {  	_ =	shalt  }
0x72: {  	_ =	shalt  }
0x73: {  	_ =	shalt  }
0x74: {  	_ =	shalt  }
0x75: {  	_ =	shalt  }
0x76: {  	_ =	shalt  }
0x77: {  	_ =	shalt  }
0x78: {  	_ =	shalt  }
0x79: {  	_ =	shalt  }
0x7a: {  	_ =	shalt  }
0x7b: {  	_ =	shalt  }
0x7c: {  	_ =	shalt  }
0x7d: {  	_ =	shalt  }
0x7e: {  	_ =	shalt  }
0x7f: {  	_ =	shalt  }
0x80: {  	_ =	shalt  }
0x81: {  	_ =	shalt  }
0x82: {  	_ =	shalt  }
0x83: {  	_ =	shalt  }
0x84: {  	_ =	shalt  }
0x85: {  	_ =	shalt  }
0x86: {  	_ =	shalt  }
0x87: {  	_ =	shalt  }
.Lfunc_end0:
.L_simem_size_0:
called_computation.1_lowered:
.L_overlay_start_0:
0x88: {  	s2 =	sld [smem:$0x3FD9]  }
0x89: {  	s3 =	sld [smem:$0x3FFE];
	_ =	sdelay $0x1  }
0x8a: {  	s1 =	srdreg.scid  }
0x8b: {  	s0 =	sand.u32 $0x1, s1  }
0x8c: {  	s17 =	sshll.u32 s0, $0xA;
	s2 =	sadd.s32 s3, s2  }
0x8d: {  	s2 =	sadd.s32 s2, s17  }
0x8e: {  	[smem:$0x3FC0] =	sst s2  }
0x8f: {  	_ = 	snop  }
0x90: {  	s2 =	sld [smem:$0x3FD0];
	(tm) =	ssettm $0x1  }
0x91: {  	s18 =	sld [smem:$0x3FFB];
	_ =	sdelay $0x3  }
0x92: {  	_ =	strace s18  }
0x93: {  	s3 =	sld [smem:$0x3FFC];
	_ =	sdelay $0x3  }
0x94: {  	_ =	strace s3  }
0x95: {  	s3 =	sld [smem:$0x3FFD];
	_ =	sdelay $0x3  }
0x96: {  	_ =	strace s3  }
0x97: {  	_ =	strace $0x8FFFFFFF  }
0x98: {  	s19 =	sld [smem:$0x3FDB];
	_ =	sdelay $0x1  }
0x99: {  	s4 =	simm.s32 $_scs_section_size  }
0x9a: {  	s5 =	simm.s32 $_size__tile_overlayer_lowered;
	s6 =	simm.s32 $_tile_overlayer_lowered  }
0x9b: {  	s22 =	simm.s32 $0x1BFF;
	s21 =	sshll.u32 s6, $0x1;
	s3 =	sadd.s32 s4, s19  }
0x9c: {  	s7 =	simm.s32 $0x0;
	s20 =	sshll.u32 s5, $0x1;
	s5 =	sadd.s32 s21, s3  }
0x9d: {  	[timem:s7], [sflag:s22] =	dma.local [hbm:s5], s20  }
0x9e: {  	_ =	swait.ge [sflag:s22], s20  }
0x9f: {  	s4 =	ssub.s32 $0x0, s20;
	[sflag:s22] =	ssyncset.done $0x0  }
0xa0: {  	[sflag:s22] =	ssyncadd.s32 s4;
	_ =	sdelay $0x1  }
0xa1: {  	s23 =	simm.s32 $0x1B8B  }
0xa2: {  	_ =	swait.ge [sflag:s23], $0x1  }
0xa3: {  	[sflag:s23] =	ssyncset.done $0x0  }
0xa4: {  	s25 =	simm.s32 $0x1B8E;
	s24 =	sld [smem:$0x3FFE];
	[sflag:s23] =	ssyncadd.s32 $0xFFFFFFFF  }
0xa5: {  	s26 =	simm.s32 $execute0_lowered;
	[smem:$0x3FD2] =	sst s25  }
0xa6: {  	s5 =	sshll.u32 s26, $0x1;
	_ =	strace $0x80000049;
	[dreg:$0x1] =	wrdreg $0xFFFFFFFF  }
0xa7: {  	s28 =	simm.s32 $_size_execute0_lowered;
	s3 =	sadd.s32 s3, s5;
	[dreg:$0x0] =	wrdreg $0x0  }
0xa8: {  	s5 =	sshll.u32 s28, $0x1;
	[dreg:$0x2] =	wrdreg s3  }
0xa9: {  	[dreg:$0x3] =	wrdreg s5  }
0xaa: {  	[dreg:$0x4] =	wrdreg $0xC0  }
0xab: {  	_ =	task [dreg:s7], $0x5FFFF  }
0xac: {  	[dreg:$0x1] =	wrdreg $0xFFFFFFFF  }
0xad: {  	[dreg:$0x0] =	wrdreg $0x60  }
0xae: {  	[dreg:$0x2] =	wrdreg s24  }
0xaf: {  	[dreg:$0x3] =	wrdreg s2  }
0xb0: {  	[dreg:$0x4] =	wrdreg $0xC7000  }
0xb1: {  	[dreg:$0x5] =	wrdreg $0x9  }
0xb2: {  	_ =	task.clear_ibuf [dreg:s7], $0x6FFFF;
	_ =	strace $0x90000049  }
0xb3: {  	s29 =	simm.s32 $0x9;
	_ =	strace $0x8000004B  }
0xb4: {  	_ =	swait.ge [sflag:s29], $0x1  }
0xb5: {  	[sflag:s29] =	ssyncadd.s32 $0xFFFFFFFF  }
0xb6: {  	_ =	strace $0x9000004B  }
0xb7: {  	_ =	sfence  }
0xb8: {  	s30 =	sld [smem:$0x0];
	_ =	sdelay $0x2  }
0xb9: {  	s31 =	sshll.u32 s1, $0xD;
	s1 =	sshrl.u32 s1, $0x2  }
0xba: {  	s3 =	sand.u32 $0x4000, s31;
	s1 =	sadd.s32 s1, s30  }
0xbb: {  	s0 =	sor.u32 s3, s0;
	s1 =	sshll.u32 s1, $0x11  }
0xbc: {  	s0 =	sor.u32 s1, s0  }
0xbd: {  	s0 =	sadd.s32 $0x8F2B, s0  }
0xbe: {  	[sflag:s0] =	ssyncadd.remote.s32 $0x1  }
0xbf: {  	_ =	sfence.sel $0xFFFF  }
0xc0: {  	[dreg:$0x0] =	wrdreg $0xFFFFFFFF;
	(pc) =	sbr.abs _section_cstart, $3  }
0xc1: {  	[dreg:$0x1] =	wrdreg $0xFFFFFFFF  }
0xc2: {  	_ =	task.clear_ibuf [dreg:s7], $0x2FFFF;
	_ =	strace $0x9FFFFFFF  }
0xc3: {  	(tm) =	ssettm $0x7FFFFFFF  }
tec
execute0_lowered:
.L_overlay_start_1:
0x0: {  	(tag) =	ssettag $0x1  }
0x1: {  	s0 =	rddreg [dreg:$0x0]  }
0x2: {  	s6 =	rddreg [dreg:$0x1]  }
0x3: {  	s1 =	rddreg [dreg:$0x2]  }
0x4: {  	s2 =	srdreg.scid;
	s3 =	simm.s32 $0x0;
	s13 =	simm.s32 $0x50  }
0x5: {  	s14 =	simm.s32 $0x4F00;
	s15 =	simm.s32 $0x7700;
	s16 =	simm.s32 $0xA0  }
0x6: {  	s17 =	simm.s32 $0x9F00;
	s18 =	simm.s32 $0x1;
	s19 =	simm.s32 $0x2  }
0x7: {  	s20 =	simm.s32 $0x3;
	s21 =	simm.s32 $0x4D00;
	s22 =	simm.s32 $0x2670  }
0x8: {  	s23 =	simm.s32 $0x4D50;
	s25 =	simm.s32 $0x26C0;
	s28 =	simm.s32 $0x4DF0  }
0x9: {  	s29 =	simm.s32 $0x4E40;
	s30 =	simm.s32 $0x0;
	s5 =	sand.u32 $0x1, s2  }
0xa: {  	s2 =	stileid.u32;
	[smem:$0x7FF] =	sst s3;
	s4 =	sshll.u32 s5, $0x4  }
0xb: {  	_ =	strace $0x8000004A;
	s8 =	smul.u32 $0x27100, s5;
	s9 =	ssub.s32 $0x2, s5  }
0xc: {  	s12 =	smul.u32 $0xFA000, s2;
	s5 =	sadd.s32 $0x33800, s0;
	p0 =	sgt.u32 s2, $0x4  }
0xd: {  	s24 =	smul.u32 $0x7D00, s2;
	s4 =	sor.u32 s2, s4;
	s11 =	sshrl.u32 s9, $0x1  }
0xe: {  	s7 =	smul.u32 $0x4E2, s4;
	s4 =	sadd.s32 $0xC600, s0;
	s26 =	ssub.s32 s9, s11  }
0xf: {  	s31 =	sshrl.u32 s12, $0x2;
	s11 =	sshll.u32 @!p0 s2, $0x6;
	s9 =	simm.s32 $0x4  }
0x10: {  	s12 =	sadd.s32 s31, s1;
	s11 =	sor.u32 @!p0 $0x1C04, s11;
	s10 =	sadd.s32 s7, s0  }
0x11: {  	s0 =	sadd.s32 s8, s0;
	s6 =	sadd.s32 s6, s7;
	s8 =	smax.u32 s26, $0x1  }
0x12: {  	s12 =	sshrl.u32 @!p0 s12, $0x3;
	s26 =	simm.s32 $0x4DA0;
	s0 =	sadd.s32 $0x3B600, s0  }
0x13: {  	s7 =	sadd.s32 $0x2800, s10;
	s10 =	simm.s32 $0x2780;
	s24 =	sadd.s32 @!p0 s24, s0  }
.LBB2_1:
0x14: {  	[tilespmem:s3], [sflag:$0x4] =	stream.linear.gather [hbm4b:s6+s3], $0x2710, $0x38;
	[tilespmem:$0x1FF80] =	vst v63  }
0x15: {  	_ =	swait.ge [sflag:s9], $0x2710  }
0x16: {  	[sflag:s9] =	ssyncset.done $0x0  }
0x17: {  	[sflag:s9] =	ssyncadd.s32 $0xFFFFD8F0  }
0x18: {  	[tilespmem:s10], [sflag:$0x4] =	stream.linear.gather [hbm4b:s7+s3], $0x2710, $0x38;
	[tilespmem:$0x1FF80] =	vst v63  }
0x19: {  	_ =	swait.ge [sflag:s9], $0x2710  }
0x1a: {  	[sflag:s9] =	ssyncset.done $0x0  }
0x1b: {  	s0 =	simm.s32 @!p0 $0x4;
	[sflag:s9] =	ssyncadd.s32 $0xFFFFD8F0  }
0x1c: {  	[spmem:s12], [sflag:s11] =	dma.local @!p0 [hbm:s5], $0x7D00  }
0x1d: {  	_ =	swait.ge @!p0 [sflag:s0], $0x7D00  }
0x1e: {  	[sflag:s0] =	ssyncset.done @!p0 $0x0  }
0x1f: {  	[sflag:s0] =	ssyncadd.s32 @!p0 $0xFFFF8300  }
0x20: {  	[bflag:$0x0] =	sbarrier.arrive $0xFFFF  }
0x21: {  	[tilespmem:s14], [sflag:$0x1] =	stream.indirect.gather [hbm4b:s4+s13], $0x80, s3, s13, $0xb8;
	[tilespmem:$0x1FF80] =	vst v63  }
0x22: {  	_ = 	snop  }
0x23: {  	[tilespmem:s15], [sflag:$0x2] =	stream.indirect.gather [hbm4b:s4+s13], $0x80, s13, s13, $0xb8;
	[tilespmem:$0x1FF80] =	vst v63  }
0x24: {  	_ = 	snop  }
0x25: {  	[tilespmem:s17], [sflag:$0x3] =	stream.indirect.gather [hbm4b:s4+s13], $0x80, s16, s13, $0xb8;
	[tilespmem:$0x1FF80] =	vst v63  }
0x26: {  	_ =	swait.ge [sflag:s18], $0x2800  }
0x27: {  	[sflag:s18] =	ssyncset.done $0x0  }
0x28: {  	s2 =	simm.s32 $0x2780;
	[sflag:s18] =	ssyncadd.s32 $0xFFFFD800  }
0x29: {  	[spmem:s1] =	stream.indirect.scatter.add.f32 [tilespmem:s14], [sflag:$0x4], $0x80, s2, s13, $0xb8;
	[tilespmem:$0x1FF80] =	vst v63  }
0x2a: {  	_ =	swait.ge [sflag:s9], $0x2800  }
0x2b: {  	[sflag:s9] =	ssyncset.done $0x0  }
0x2c: {  	s2 =	simm.s32 $0xF0;
	[sflag:s9] =	ssyncadd.s32 $0xFFFFD800  }
0x2d: {  	[tilespmem:s14], [sflag:$0x1] =	stream.indirect.gather [hbm4b:s4+s13], $0x80, s2, s13, $0xb8;
	[tilespmem:$0x1FF80] =	vst v63  }
0x2e: {  	_ =	swait.ge [sflag:s19], $0x2800  }
0x2f: {  	[sflag:s19] =	ssyncset.done $0x0  }
0x30: {  	s2 =	simm.s32 $0x27D0;
	[sflag:s19] =	ssyncadd.s32 $0xFFFFD800  }
0x31: {  	[spmem:s1] =	stream.indirect.scatter.add.f32 [tilespmem:s15], [sflag:$0x4], $0x80, s2, s13, $0xb8;
	[tilespmem:$0x1FF80] =	vst v63  }
0x32: {  	_ =	swait.ge [sflag:s9], $0x2800  }
0x33: {  	[sflag:s9] =	ssyncset.done $0x0  }
0x34: {  	s2 =	simm.s32 $0x140;
	[sflag:s9] =	ssyncadd.s32 $0xFFFFD800  }
0x35: {  	[tilespmem:s15], [sflag:$0x2] =	stream.indirect.gather [hbm4b:s4+s13], $0x80, s2, s13, $0xb8;
	[tilespmem:$0x1FF80] =	vst v63  }
0x36: {  	_ =	swait.ge [sflag:s20], $0x2800  }
0x37: {  	[sflag:s20] =	ssyncset.done $0x0  }
0x38: {  	s2 =	simm.s32 $0x2820;
	[sflag:s20] =	ssyncadd.s32 $0xFFFFD800  }
0x39: {  	[spmem:s1] =	stream.indirect.scatter.add.f32 [tilespmem:s17], [sflag:$0x4], $0x80, s2, s13, $0xb8;
	[tilespmem:$0x1FF80] =	vst v63  }
0x3a: {  	_ =	swait.ge [sflag:s9], $0x2800  }
0x3b: {  	[sflag:s9] =	ssyncset.done $0x0  }
0x3c: {  	s31 =	simm.s32 $0x3C0;
	s0 =	simm.s32 $0x190;
	[sflag:s9] =	ssyncadd.s32 $0xFFFFD800  }
.LBB2_2:
0x3d: {  	[tilespmem:s17], [sflag:$0x3] =	stream.indirect.gather [hbm4b:s4+s13], $0x80, s0, s13, $0xb8;
	[tilespmem:$0x1FF80] =	vst v63  }
0x3e: {  	s0 =	smov.u32 s31  }
0x3f: {  	p1 =	sne.s32 s31, $0x9240;
	s31 =	sadd.s32 $0x3C0, s31;
	_ =	swait.ge [sflag:s18], $0x2800  }
0x40: {  	s0 =	sshra.s32 s0, $0x2;
	[sflag:s18] =	ssyncset.done $0x0  }
0x41: {  	s2 =	sadd.s32 $0x2780, s0;
	[sflag:s18] =	ssyncadd.s32 $0xFFFFD800  }
0x42: {  	[spmem:s1] =	stream.indirect.scatter.add.f32 [tilespmem:s14], [sflag:$0x4], $0x80, s2, s13, $0xb8;
	[tilespmem:$0x1FF80] =	vst v63  }
0x43: {  	_ =	swait.ge [sflag:s9], $0x2800  }
0x44: {  	[sflag:s9] =	ssyncset.done $0x0  }
0x45: {  	s2 =	sadd.s32 $0xF0, s0;
	[sflag:s9] =	ssyncadd.s32 $0xFFFFD800  }
0x46: {  	[tilespmem:s14], [sflag:$0x1] =	stream.indirect.gather [hbm4b:s4+s13], $0x80, s2, s13, $0xb8;
	[tilespmem:$0x1FF80] =	vst v63  }
0x47: {  	_ =	swait.ge [sflag:s19], $0x2800  }
0x48: {  	[sflag:s19] =	ssyncset.done $0x0  }
0x49: {  	s2 =	sadd.s32 $0x27D0, s0;
	[sflag:s19] =	ssyncadd.s32 $0xFFFFD800  }
0x4a: {  	[spmem:s1] =	stream.indirect.scatter.add.f32 [tilespmem:s15], [sflag:$0x4], $0x80, s2, s13, $0xb8;
	[tilespmem:$0x1FF80] =	vst v63  }
0x4b: {  	_ =	swait.ge [sflag:s9], $0x2800  }
0x4c: {  	[sflag:s9] =	ssyncset.done $0x0  }
0x4d: {  	s2 =	sadd.s32 $0x140, s0;
	[sflag:s9] =	ssyncadd.s32 $0xFFFFD800  }
0x4e: {  	[tilespmem:s15], [sflag:$0x2] =	stream.indirect.gather [hbm4b:s4+s13], $0x80, s2, s13, $0xb8;
	[tilespmem:$0x1FF80] =	vst v63  }
0x4f: {  	_ =	swait.ge [sflag:s20], $0x2800  }
0x50: {  	[sflag:s20] =	ssyncset.done $0x0  }
.Ltmp0:
0x51: {  	s2 =	sadd.s32 $0x2820, s0;
	[sflag:s20] =	ssyncadd.s32 $0xFFFFD800;
	(pc) =	sbr.rel @p1 .LBB2_2-.Ltmp0, $4  }
0x52: {  	[spmem:s1] =	stream.indirect.scatter.add.f32 [tilespmem:s17], [sflag:$0x4], $0x80, s2, s13, $0xb8;
	[tilespmem:$0x1FF80] =	vst v63  }
0x53: {  	_ =	swait.ge [sflag:s9], $0x2800  }
0x54: {  	[sflag:s9] =	ssyncset.done $0x0  }
0x55: {  	s0 =	sadd.s32 $0x190, s0;
	[sflag:s9] =	ssyncadd.s32 $0xFFFFD800  }
0x56: {  	[tilespmem:s17], [sflag:$0x3] =	stream.indirect.gather [hbm4b:s4+s13], $0x80, s0, s13, $0xb8;
	[tilespmem:$0x1FF80] =	vst v63  }
0x57: {  	_ =	swait.ge [sflag:s18], $0x2800  }
0x58: {  	[sflag:s18] =	ssyncset.done $0x0  }
0x59: {  	[sflag:s18] =	ssyncadd.s32 $0xFFFFD800  }
0x5a: {  	[spmem:s1] =	stream.indirect.scatter.add.f32 [tilespmem:s14], [sflag:$0x4], $0x80, s21, s13, $0xb8;
	[tilespmem:$0x1FF80] =	vst v63  }
0x5b: {  	_ =	swait.ge [sflag:s9], $0x2800  }
0x5c: {  	[sflag:s9] =	ssyncset.done $0x0  }
0x5d: {  	[sflag:s9] =	ssyncadd.s32 $0xFFFFD800  }
0x5e: {  	[tilespmem:s14], [sflag:$0x1] =	stream.indirect.gather [hbm4b:s4+s13], $0x80, s22, s13, $0xb8;
	[tilespmem:$0x1FF80] =	vst v63  }
0x5f: {  	_ =	swait.ge [sflag:s19], $0x2800  }
0x60: {  	[sflag:s19] =	ssyncset.done $0x0  }
0x61: {  	[sflag:s19] =	ssyncadd.s32 $0xFFFFD800  }
0x62: {  	[spmem:s1] =	stream.indirect.scatter.add.f32 [tilespmem:s15], [sflag:$0x4], $0x80, s23, s13, $0xb8;
	[tilespmem:$0x1FF80] =	vst v63  }
0x63: {  	_ =	swait.ge [sflag:s9], $0x2800  }
0x64: {  	[sflag:s9] =	ssyncset.done $0x0  }
0x65: {  	[sflag:s9] =	ssyncadd.s32 $0xFFFFD800  }
0x66: {  	[tilespmem:s15], [sflag:$0x2] =	stream.indirect.gather [hbm4b:s4+s13], $0x80, s25, s13, $0xb8;
	[tilespmem:$0x1FF80] =	vst v63  }
0x67: {  	_ =	swait.ge [sflag:s20], $0x2800  }
0x68: {  	[sflag:s20] =	ssyncset.done $0x0  }
0x69: {  	[sflag:s20] =	ssyncadd.s32 $0xFFFFD800  }
0x6a: {  	[spmem:s1] =	stream.indirect.scatter.add.f32 [tilespmem:s17], [sflag:$0x4], $0x80, s26, s13, $0xb8;
	[tilespmem:$0x1FF80] =	vst v63  }
0x6b: {  	_ =	swait.ge [sflag:s9], $0x2800  }
0x6c: {  	[sflag:s9] =	ssyncset.done $0x0  }
0x6d: {  	[sflag:s9] =	ssyncadd.s32 $0xFFFFD800  }
0x6e: {  	_ =	swait.ge [sflag:s18], $0x2800  }
0x6f: {  	[sflag:s18] =	ssyncset.done $0x0  }
0x70: {  	[sflag:s18] =	ssyncadd.s32 $0xFFFFD800  }
0x71: {  	[spmem:s1] =	stream.indirect.scatter.add.f32 [tilespmem:s14], [sflag:$0x4], $0x80, s28, s13, $0xb8;
	[tilespmem:$0x1FF80] =	vst v63  }
0x72: {  	_ =	swait.ge [sflag:s9], $0x2800  }
0x73: {  	[sflag:s9] =	ssyncset.done $0x0  }
0x74: {  	[sflag:s9] =	ssyncadd.s32 $0xFFFFD800  }
0x75: {  	_ =	swait.ge [sflag:s19], $0x2800  }
0x76: {  	[sflag:s19] =	ssyncset.done $0x0  }
0x77: {  	[sflag:s19] =	ssyncadd.s32 $0xFFFFD800  }
0x78: {  	[spmem:s1] =	stream.indirect.scatter.add.f32 [tilespmem:s15], [sflag:$0x4], $0x80, s29, s13, $0xb8;
	[tilespmem:$0x1FF80] =	vst v63  }
0x79: {  	_ =	swait.ge [sflag:s9], $0x2800  }
0x7a: {  	s30 =	sadd.s32 $0x1, s30;
	[sflag:s9] =	ssyncset.done $0x0  }
0x7b: {  	p1 =	sne.s32 s30, s8;
	[sflag:s9] =	ssyncadd.s32 $0xFFFFD800  }
.Ltmp1:
0x7c: {  	s0 =	simm.s32 @!p0 $0x4;
	[bflag:$0x0] =	sbarrier.arrive $0xFFFF;
	(pc) =	sbr.rel @p1 .LBB2_1-.Ltmp1, $4  }
0x7d: {  	[hbm:s24], [sflag:s11] =	dma.local @!p0 [spmem:s12], $0x7D00  }
0x7e: {  	_ =	swait.ge @!p0 [sflag:s0], $0x7D00  }
0x7f: {  	[sflag:s0] =	ssyncset.done @!p0 $0x0  }
0x80: {  	[sflag:s0] =	ssyncadd.s32 @!p0 $0xFFFF8300  }
0x81: {  	_ =	sfence.sel $0x180000  }
0x82: {  	[bflag:$0x0] =	sbarrier.arrive $0xFFFF  }
0x83: {  	_ =	strace $0x9000004A  }
0x84: {  	s0 =	stileid.u32;
	[bflag:$0x2] =	sbarrier.arrive $0xFFFF  }
0x85: {  	p0 =	sne.s32 s0, $0x0;
	s0 =	rddreg [dreg:$0x3]  }
0x86: {  	s0 =	sadd.s32 @!p0 $0x100000, s0  }
0x87: {  	[sflag:s0] =	ssyncadd.tile.s32 @!p0 $0x1;
	_ =	shalt  }
.Lfunc_end2:
_tile_overlayer_lowered:
.L_overlay_start_2:
0x88: {  	(tag) =	ssettag $0x2  }
0x89: {  	s0 =	rddreg [dreg:$0x0];
	s2 =	stileid.u32  }
0x8a: {  	s1 =	rddreg [dreg:$0x1];
	p0 =	sne.s32 s2, $0x0  }
0x8b: {  	s3 =	rddreg [dreg:$0x2];
	[bflag:$0x3] =	sbarrier.arrive $0xFFFF;
	s2 =	simm.s32 @!p0 $0x1C04  }
0x8c: {  	[timem:s3], [sflag:s2] =	dma.local @!p0 [hbm:s0], s1  }
0x8d: {  	s0 =	simm.s32 @!p0 $0x4  }
0x8e: {  	_ =	swait.ge @!p0 [sflag:s0], s1  }
0x8f: {  	s1 =	ssub.s32 @!p0 $0x0, s1;
	[sflag:s0] =	ssyncset.done @!p0 $0x0  }
0x90: {  	[sflag:s0] =	ssyncadd.s32 @!p0 s1  }
0x91: {  	[bflag:$0x3] =	sbarrier.arrive $0xFFFF  }
0x92: {  	_ =	shalt  }

// kernel: kernel.14.cloned.1.call-start
scs
__scs_entry_jumppad:
0x0: {  	(pc) =	sbr.rel $0x88, $3  }
0x1: {  	(tag) =	ssettag $0x0;
	lr =	simm.s32 $0x1  }
0x2: {  	[smem:$0x3F99] =	sst lr;
	_ =	strace $0xD0000000  }
0x3: {  	_ = 	snop  }
0x4: {  	_ = 	snop  }
0x5: {  	_ = 	snop  }
0x6: {  	_ = 	snop  }
0x7: {  	_ = 	snop  }
__scs_overlays_trampoline_lowered:
0x8: {  	[smem:$0x3FA8] =	sst s0  }
0x9: {  	[smem:$0x3FA9] =	sst s1  }
0xa: {  	[smem:$0x3FAA] =	sst s2  }
0xb: {  	[smem:$0x3FAB] =	sst s3  }
0xc: {  	[smem:$0x3FAC] =	sst s4  }
0xd: {  	[smem:$0x3FAD] =	sst s5  }
0xe: {  	[smem:$0x3FAE] =	sst s6  }
0xf: {  	[smem:$0x3FAF] =	sst s7  }
0x10: {  	[smem:$0x3FB0] =	sst s8  }
0x11: {  	[smem:$0x3FB1] =	sst s9;
	s0 =	simm.s32 @!p0 $0x0  }
0x12: {  	s1 =	sld [smem:$0x3F97];
	s0 =	simm.s32 @p0 $0x1  }
0x13: {  	[smem:$0x3FB2] =	sst s0;
	s0 =	simm.s32 @!p1 $0x0  }
0x14: {  	s2 =	sld [smem:$0x3F96];
	s0 =	simm.s32 @p1 $0x1  }
0x15: {  	[smem:$0x3FB3] =	sst s0;
	s0 =	simm.s32 @!p2 $0x0  }
0x16: {  	s3 =	sld [smem:$0x3FDB];
	s0 =	simm.s32 @p2 $0x1  }
0x17: {  	s4 =	simm.s32 $0x1BF5;
	[smem:$0x3FB5] =	sst s0  }
0x18: {  	s0 =	sld [smem:$0x3F98];
	_ =	swait.ge [sflag:s4], $0x0  }
0x19: {  	s7 =	sld [smem:$0x3F99]  }
0x1a: {  	s8 =	sadd.s32 $0xFFFFE003, lr  }
0x1b: {  	s9 =	sadd.s32 $0xFFFFFEF7, lr;
	s5 =	simm.s32 $0xFFFFFFFF;
	p2 =	slt.u32 s8, $0xFFFFF086  }
0x1c: {  	p1 =	slt.u32 s9, $0xF7A;
	s5 =	simm.s32 @!p2 $0x0  }
0x1d: {  	s5 =	simm.s32 @p1 $0x1;
	p0 =	seq.s32 s7, s2  }
0x1e: {  	s7 =	smul.u32 @!p0 $0xF7A, s2;
	p2 =	seq.s32 @!p0 s5, $0x0  }
0x1f: {  	s9 =	smul.u32 $0xF7A, s1;
	s8 =	simm.s32 @!p0 $0x1BF5;
	p2 =	por !p2, p0  }
0x20: {  	[sflag:s8] =	ssyncset.s32 @!p0 $0xFFFFF086;
	s6 =	sadd.s32 @!p0 s3, s7;
	s7 =	simm.s32 @!p0 $0x108  }
0x21: {  	s3 =	sadd.s32 s3, s9;
	s6 =	sadd.s32 @!p0 $0x88, s6;
	s7 =	simm.s32 @p2 $0x1082  }
0x22: {  	[simem:s7], [sflag:s8] =	dma.local @!p0 [hbm:s6], $0xF7A  }
0x23: {  	s9 =	sor.u32 $0xD0000000, s2;
	s6 =	simm.s32 $0x108;
	_ =	swait.ge @!p0 [sflag:s8], $0x0  }
0x24: {  	s3 =	sadd.s32 $0x88, s3;
	s6 =	simm.s32 @!p1 $0x1082;
	[sflag:s4] =	ssyncset.s32 $0xFFFFF086  }
0x25: {  	[simem:s6], [sflag:s4] =	dma.local [hbm:s3], $0xF7A  }
0x26: {  	[smem:$0x3F99] =	sst s1;
	(tag) =	ssettag s2;
	_ =	strace s9  }
0x27: {  	s1 =	sld [smem:$0x3FA9]  }
0x28: {  	s2 =	sld [smem:$0x3FAA]  }
0x29: {  	s4 =	sld [smem:$0x3FAC]  }
0x2a: {  	p0 =	seq.s32 s5, $0x0;
	s5 =	sld [smem:$0x3FAD]  }
0x2b: {  	s6 =	sld [smem:$0x3FAE]  }
0x2c: {  	s7 =	sld [smem:$0x3FAF]  }
0x2d: {  	s3 =	simm.s32 $0x108;
	s8 =	sld [smem:$0x3FB0]  }
0x2e: {  	s3 =	simm.s32 @!p0 $0x1082;
	s9 =	sld [smem:$0x3FB1]  }
0x2f: {  	lr =	sadd.s32 s0, s3;
	s0 =	sld [smem:$0x3FA8]  }
0x30: {  	s3 =	sld [smem:$0x3FAB]  }
0x31: {  	[smem:$0x3FB4] =	sst s10  }
0x32: {  	s10 =	sld [smem:$0x3FB2];
	_ =	sdelay $0x3  }
0x33: {  	p0 =	seq.s32 s10, $0x1;
	s10 =	sld [smem:$0x3FB4];
	_ =	sdelay $0x3  }
0x34: {  	[smem:$0x3FB4] =	sst s10  }
0x35: {  	s10 =	sld [smem:$0x3FB3];
	_ =	sdelay $0x3  }
0x36: {  	p1 =	seq.s32 s10, $0x1;
	s10 =	sld [smem:$0x3FB4];
	_ =	sdelay $0x3  }
0x37: {  	[smem:$0x3FB4] =	sst s10  }
0x38: {  	s10 =	sld [smem:$0x3FB5]  }
0x39: {  	_ = 	snop;
	(pc) =	sbr.ind lr, $3  }
0x3a: {  	_ = 	snop  }
0x3b: {  	_ = 	snop  }
0x3c: {  	p2 =	seq.s32 s10, $0x1;
	s10 =	sld [smem:$0x3FB4]  }
0x3d: {  	_ =	shalt  }
0x3e: {  	_ =	shalt  }
0x3f: {  	_ =	shalt  }
0x40: {  	_ =	shalt  }
0x41: {  	_ =	shalt  }
0x42: {  	_ =	shalt  }
0x43: {  	_ =	shalt  }
0x44: {  	_ =	shalt  }
0x45: {  	_ =	shalt  }
0x46: {  	_ =	shalt  }
0x47: {  	_ =	shalt  }
0x48: {  	_ =	shalt  }
0x49: {  	_ =	shalt  }
0x4a: {  	_ =	shalt  }
0x4b: {  	_ =	shalt  }
0x4c: {  	_ =	shalt  }
0x4d: {  	_ =	shalt  }
0x4e: {  	_ =	shalt  }
0x4f: {  	_ =	shalt  }
0x50: {  	_ =	shalt  }
0x51: {  	_ =	shalt  }
0x52: {  	_ =	shalt  }
0x53: {  	_ =	shalt  }
0x54: {  	_ =	shalt  }
0x55: {  	_ =	shalt  }
0x56: {  	_ =	shalt  }
0x57: {  	_ =	shalt  }
0x58: {  	_ =	shalt  }
0x59: {  	_ =	shalt  }
0x5a: {  	_ =	shalt  }
0x5b: {  	_ =	shalt  }
0x5c: {  	_ =	shalt  }
0x5d: {  	_ =	shalt  }
0x5e: {  	_ =	shalt  }
0x5f: {  	_ =	shalt  }
0x60: {  	_ =	shalt  }
0x61: {  	_ =	shalt  }
0x62: {  	_ =	shalt  }
0x63: {  	_ =	shalt  }
0x64: {  	_ =	shalt  }
0x65: {  	_ =	shalt  }
0x66: {  	_ =	shalt  }
0x67: {  	_ =	shalt  }
0x68: {  	_ =	shalt  }
0x69: {  	_ =	shalt  }
0x6a: {  	_ =	shalt  }
0x6b: {  	_ =	shalt  }
0x6c: {  	_ =	shalt  }
0x6d: {  	_ =	shalt  }
0x6e: {  	_ =	shalt  }
0x6f: {  	_ =	shalt  }
0x70: {  	_ =	shalt  }
0x71: {  	_ =	shalt  }
0x72: {  	_ =	shalt  }
0x73: {  	_ =	shalt  }
0x74: {  	_ =	shalt  }
0x75: {  	_ =	shalt  }
0x76: {  	_ =	shalt  }
0x77: {  	_ =	shalt  }
0x78: {  	_ =	shalt  }
0x79: {  	_ =	shalt  }
0x7a: {  	_ =	shalt  }
0x7b: {  	_ =	shalt  }
0x7c: {  	_ =	shalt  }
0x7d: {  	_ =	shalt  }
0x7e: {  	_ =	shalt  }
0x7f: {  	_ =	shalt  }
0x80: {  	_ =	shalt  }
0x81: {  	_ =	shalt  }
0x82: {  	_ =	shalt  }
0x83: {  	_ =	shalt  }
0x84: {  	_ =	shalt  }
0x85: {  	_ =	shalt  }
0x86: {  	_ =	shalt  }
0x87: {  	_ =	shalt  }
.Lfunc_end0:
.L_simem_size_0:
called_computation.2_lowered:
.L_overlay_start_0:
0x88: {  	s2 =	sld [smem:$0x3FD9]  }
0x89: {  	s3 =	sld [smem:$0x3FFE];
	_ =	sdelay $0x1  }
0x8a: {  	s1 =	srdreg.scid  }
0x8b: {  	s0 =	sand.u32 $0x1, s1  }
0x8c: {  	s17 =	sshll.u32 s0, $0xA;
	s2 =	sadd.s32 s3, s2  }
0x8d: {  	s2 =	sadd.s32 s2, s17  }
0x8e: {  	[smem:$0x3FC0] =	sst s2  }
0x8f: {  	_ = 	snop  }
0x90: {  	s2 =	sld [smem:$0x3FD0];
	(tm) =	ssettm $0x1  }
0x91: {  	s18 =	sld [smem:$0x3FFB];
	_ =	sdelay $0x3  }
0x92: {  	_ =	strace s18  }
0x93: {  	s3 =	sld [smem:$0x3FFC];
	_ =	sdelay $0x3  }
0x94: {  	_ =	strace s3  }
0x95: {  	s3 =	sld [smem:$0x3FFD];
	_ =	sdelay $0x3  }
0x96: {  	_ =	strace s3  }
0x97: {  	_ =	strace $0x8FFFFFFF  }
0x98: {  	s19 =	sld [smem:$0x3FDB];
	_ =	sdelay $0x1  }
0x99: {  	s4 =	simm.s32 $_scs_section_size  }
0x9a: {  	s5 =	simm.s32 $_size__tile_overlayer_lowered;
	s6 =	simm.s32 $_tile_overlayer_lowered  }
0x9b: {  	s22 =	simm.s32 $0x1BFF;
	s21 =	sshll.u32 s6, $0x1;
	s3 =	sadd.s32 s4, s19  }
0x9c: {  	s7 =	simm.s32 $0x0;
	s20 =	sshll.u32 s5, $0x1;
	s5 =	sadd.s32 s21, s3  }
0x9d: {  	[timem:s7], [sflag:s22] =	dma.local [hbm:s5], s20  }
0x9e: {  	_ =	swait.ge [sflag:s22], s20  }
0x9f: {  	s4 =	ssub.s32 $0x0, s20;
	[sflag:s22] =	ssyncset.done $0x0  }
0xa0: {  	[sflag:s22] =	ssyncadd.s32 s4;
	_ =	sdelay $0x1  }
0xa1: {  	s23 =	simm.s32 $0x1B8B  }
0xa2: {  	_ =	swait.ge [sflag:s23], $0x1  }
0xa3: {  	[sflag:s23] =	ssyncset.done $0x0  }
0xa4: {  	s25 =	simm.s32 $0x1B8E;
	s24 =	sld [smem:$0x3FFE];
	[sflag:s23] =	ssyncadd.s32 $0xFFFFFFFF  }
0xa5: {  	s26 =	simm.s32 $execute0_lowered;
	[smem:$0x3FD2] =	sst s25  }
0xa6: {  	s5 =	sshll.u32 s26, $0x1;
	_ =	strace $0x8000004C;
	[dreg:$0x1] =	wrdreg $0xFFFFFFFF  }
0xa7: {  	s28 =	simm.s32 $_size_execute0_lowered;
	s3 =	sadd.s32 s3, s5;
	[dreg:$0x0] =	wrdreg $0x0  }
0xa8: {  	s5 =	sshll.u32 s28, $0x1;
	[dreg:$0x2] =	wrdreg s3  }
0xa9: {  	[dreg:$0x3] =	wrdreg s5  }
0xaa: {  	[dreg:$0x4] =	wrdreg $0xC0  }
0xab: {  	_ =	task [dreg:s7], $0x5FFFF  }
0xac: {  	[dreg:$0x1] =	wrdreg $0xFFFFFFFF  }
0xad: {  	[dreg:$0x0] =	wrdreg $0x60  }
0xae: {  	[dreg:$0x2] =	wrdreg s24  }
0xaf: {  	[dreg:$0x3] =	wrdreg s2  }
0xb0: {  	[dreg:$0x4] =	wrdreg $0xC7000  }
0xb1: {  	[dreg:$0x5] =	wrdreg $0x9  }
0xb2: {  	_ =	task.clear_ibuf [dreg:s7], $0x6FFFF;
	_ =	strace $0x9000004C  }
0xb3: {  	s29 =	simm.s32 $0x9;
	_ =	strace $0x8000004E  }
0xb4: {  	_ =	swait.ge [sflag:s29], $0x1  }
0xb5: {  	[sflag:s29] =	ssyncadd.s32 $0xFFFFFFFF  }
0xb6: {  	_ =	strace $0x9000004E  }
0xb7: {  	_ =	sfence  }
0xb8: {  	s30 =	sld [smem:$0x0];
	_ =	sdelay $0x2  }
0xb9: {  	s31 =	sshll.u32 s1, $0xD;
	s1 =	sshrl.u32 s1, $0x2  }
0xba: {  	s3 =	sand.u32 $0x4000, s31;
	s1 =	sadd.s32 s1, s30  }
0xbb: {  	s0 =	sor.u32 s3, s0;
	s1 =	sshll.u32 s1, $0x11  }
0xbc: {  	s0 =	sor.u32 s1, s0  }
0xbd: {  	s0 =	sadd.s32 $0x8F2B, s0  }
0xbe: {  	[sflag:s0] =	ssyncadd.remote.s32 $0x1  }
0xbf: {  	_ =	sfence.sel $0xFFFF  }
0xc0: {  	[dreg:$0x0] =	wrdreg $0xFFFFFFFF;
	(pc) =	sbr.abs _section_cstart, $3  }
0xc1: {  	[dreg:$0x1] =	wrdreg $0xFFFFFFFF  }
0xc2: {  	_ =	task.clear_ibuf [dreg:s7], $0x2FFFF;
	_ =	strace $0x9FFFFFFF  }
0xc3: {  	(tm) =	ssettm $0x7FFFFFFF  }
tec
execute0_lowered:
.L_overlay_start_1:
0x0: {  	(tag) =	ssettag $0x1  }
0x1: {  	s0 =	rddreg [dreg:$0x0]  }
0x2: {  	s6 =	rddreg [dreg:$0x1]  }
0x3: {  	s1 =	rddreg [dreg:$0x2]  }
0x4: {  	s2 =	srdreg.scid;
	s3 =	simm.s32 $0x0;
	s13 =	simm.s32 $0x50  }
0x5: {  	s14 =	simm.s32 $0x4F00;
	s15 =	simm.s32 $0x7700;
	s16 =	simm.s32 $0xA0  }
0x6: {  	s17 =	simm.s32 $0x9F00;
	s18 =	simm.s32 $0x1;
	s19 =	simm.s32 $0x2  }
0x7: {  	s20 =	simm.s32 $0x3;
	s21 =	simm.s32 $0x4D00;
	s22 =	simm.s32 $0x2670  }
0x8: {  	s23 =	simm.s32 $0x4D50;
	s25 =	simm.s32 $0x26C0;
	s28 =	simm.s32 $0x4DF0  }
0x9: {  	s29 =	simm.s32 $0x4E40;
	s30 =	simm.s32 $0x0;
	s5 =	sand.u32 $0x1, s2  }
0xa: {  	s2 =	stileid.u32;
	[smem:$0x7FF] =	sst s3;
	s4 =	sshll.u32 s5, $0x4  }
0xb: {  	_ =	strace $0x8000004D;
	s8 =	smul.u32 $0x27100, s5;
	s9 =	ssub.s32 $0x2, s5  }
0xc: {  	s12 =	smul.u32 $0xFA000, s2;
	s5 =	sadd.s32 $0x33800, s0;
	p0 =	sgt.u32 s2, $0x4  }
0xd: {  	s24 =	smul.u32 $0x7D00, s2;
	s4 =	sor.u32 s2, s4;
	s11 =	sshrl.u32 s9, $0x1  }
0xe: {  	s7 =	smul.u32 $0x4E2, s4;
	s4 =	sadd.s32 $0xC600, s0;
	s26 =	ssub.s32 s9, s11  }
0xf: {  	s31 =	sshrl.u32 s12, $0x2;
	s11 =	sshll.u32 @!p0 s2, $0x6;
	s9 =	simm.s32 $0x4  }
0x10: {  	s12 =	sadd.s32 s31, s1;
	s11 =	sor.u32 @!p0 $0x1C04, s11;
	s10 =	sadd.s32 s7, s0  }
0x11: {  	s0 =	sadd.s32 s8, s0;
	s6 =	sadd.s32 s6, s7;
	s8 =	smax.u32 s26, $0x1  }
0x12: {  	s12 =	sshrl.u32 @!p0 s12, $0x3;
	s26 =	simm.s32 $0x4DA0;
	s0 =	sadd.s32 $0x3B600, s0  }
0x13: {  	s7 =	sadd.s32 $0x2800, s10;
	s10 =	simm.s32 $0x2780;
	s24 =	sadd.s32 @!p0 s24, s0  }
.LBB2_1:
0x14: {  	[tilespmem:s3], [sflag:$0x4] =	stream.linear.gather [hbm4b:s6+s3], $0x2710, $0x38;
	[tilespmem:$0x1FF80] =	vst v63  }
0x15: {  	_ =	swait.ge [sflag:s9], $0x2710  }
0x16: {  	[sflag:s9] =	ssyncset.done $0x0  }
0x17: {  	[sflag:s9] =	ssyncadd.s32 $0xFFFFD8F0  }
0x18: {  	[tilespmem:s10], [sflag:$0x4] =	stream.linear.gather [hbm4b:s7+s3], $0x2710, $0x38;
	[tilespmem:$0x1FF80] =	vst v63  }
0x19: {  	_ =	swait.ge [sflag:s9], $0x2710  }
0x1a: {  	[sflag:s9] =	ssyncset.done $0x0  }
0x1b: {  	s0 =	simm.s32 @!p0 $0x4;
	[sflag:s9] =	ssyncadd.s32 $0xFFFFD8F0  }
0x1c: {  	[spmem:s12], [sflag:s11] =	dma.local @!p0 [hbm:s5], $0x7D00  }
0x1d: {  	_ =	swait.ge @!p0 [sflag:s0], $0x7D00  }
0x1e: {  	[sflag:s0] =	ssyncset.done @!p0 $0x0  }
0x1f: {  	[sflag:s0] =	ssyncadd.s32 @!p0 $0xFFFF8300  }
0x20: {  	[bflag:$0x0] =	sbarrier.arrive $0xFFFF  }
0x21: {  	[tilespmem:s14], [sflag:$0x1] =	stream.indirect.gather [hbm4b:s4+s13], $0x80, s3, s13, $0xb8;
	[tilespmem:$0x1FF80] =	vst v63  }
0x22: {  	_ = 	snop  }
0x23: {  	[tilespmem:s15], [sflag:$0x2] =	stream.indirect.gather [hbm4b:s4+s13], $0x80, s13, s13, $0xb8;
	[tilespmem:$0x1FF80] =	vst v63  }
0x24: {  	_ = 	snop  }
0x25: {  	[tilespmem:s17], [sflag:$0x3] =	stream.indirect.gather [hbm4b:s4+s13], $0x80, s16, s13, $0xb8;
	[tilespmem:$0x1FF80] =	vst v63  }
0x26: {  	_ =	swait.ge [sflag:s18], $0x2800  }
0x27: {  	[sflag:s18] =	ssyncset.done $0x0  }
0x28: {  	s2 =	simm.s32 $0x2780;
	[sflag:s18] =	ssyncadd.s32 $0xFFFFD800  }
0x29: {  	[spmem:s1] =	stream.indirect.scatter.add.f32 [tilespmem:s14], [sflag:$0x4], $0x80, s2, s13, $0xb8;
	[tilespmem:$0x1FF80] =	vst v63  }
0x2a: {  	_ =	swait.ge [sflag:s9], $0x2800  }
0x2b: {  	[sflag:s9] =	ssyncset.done $0x0  }
0x2c: {  	s2 =	simm.s32 $0xF0;
	[sflag:s9] =	ssyncadd.s32 $0xFFFFD800  }
0x2d: {  	[tilespmem:s14], [sflag:$0x1] =	stream.indirect.gather [hbm4b:s4+s13], $0x80, s2, s13, $0xb8;
	[tilespmem:$0x1FF80] =	vst v63  }
0x2e: {  	_ =	swait.ge [sflag:s19], $0x2800  }
0x2f: {  	[sflag:s19] =	ssyncset.done $0x0  }
0x30: {  	s2 =	simm.s32 $0x27D0;
	[sflag:s19] =	ssyncadd.s32 $0xFFFFD800  }
0x31: {  	[spmem:s1] =	stream.indirect.scatter.add.f32 [tilespmem:s15], [sflag:$0x4], $0x80, s2, s13, $0xb8;
	[tilespmem:$0x1FF80] =	vst v63  }
0x32: {  	_ =	swait.ge [sflag:s9], $0x2800  }
0x33: {  	[sflag:s9] =	ssyncset.done $0x0  }
0x34: {  	s2 =	simm.s32 $0x140;
	[sflag:s9] =	ssyncadd.s32 $0xFFFFD800  }
0x35: {  	[tilespmem:s15], [sflag:$0x2] =	stream.indirect.gather [hbm4b:s4+s13], $0x80, s2, s13, $0xb8;
	[tilespmem:$0x1FF80] =	vst v63  }
0x36: {  	_ =	swait.ge [sflag:s20], $0x2800  }
0x37: {  	[sflag:s20] =	ssyncset.done $0x0  }
0x38: {  	s2 =	simm.s32 $0x2820;
	[sflag:s20] =	ssyncadd.s32 $0xFFFFD800  }
0x39: {  	[spmem:s1] =	stream.indirect.scatter.add.f32 [tilespmem:s17], [sflag:$0x4], $0x80, s2, s13, $0xb8;
	[tilespmem:$0x1FF80] =	vst v63  }
0x3a: {  	_ =	swait.ge [sflag:s9], $0x2800  }
0x3b: {  	[sflag:s9] =	ssyncset.done $0x0  }
0x3c: {  	s31 =	simm.s32 $0x3C0;
	s0 =	simm.s32 $0x190;
	[sflag:s9] =	ssyncadd.s32 $0xFFFFD800  }
.LBB2_2:
0x3d: {  	[tilespmem:s17], [sflag:$0x3] =	stream.indirect.gather [hbm4b:s4+s13], $0x80, s0, s13, $0xb8;
	[tilespmem:$0x1FF80] =	vst v63  }
0x3e: {  	s0 =	smov.u32 s31  }
0x3f: {  	p1 =	sne.s32 s31, $0x9240;
	s31 =	sadd.s32 $0x3C0, s31;
	_ =	swait.ge [sflag:s18], $0x2800  }
0x40: {  	s0 =	sshra.s32 s0, $0x2;
	[sflag:s18] =	ssyncset.done $0x0  }
0x41: {  	s2 =	sadd.s32 $0x2780, s0;
	[sflag:s18] =	ssyncadd.s32 $0xFFFFD800  }
0x42: {  	[spmem:s1] =	stream.indirect.scatter.add.f32 [tilespmem:s14], [sflag:$0x4], $0x80, s2, s13, $0xb8;
	[tilespmem:$0x1FF80] =	vst v63  }
0x43: {  	_ =	swait.ge [sflag:s9], $0x2800  }
0x44: {  	[sflag:s9] =	ssyncset.done $0x0  }
0x45: {  	s2 =	sadd.s32 $0xF0, s0;
	[sflag:s9] =	ssyncadd.s32 $0xFFFFD800  }
0x46: {  	[tilespmem:s14], [sflag:$0x1] =	stream.indirect.gather [hbm4b:s4+s13], $0x80, s2, s13, $0xb8;
	[tilespmem:$0x1FF80] =	vst v63  }
0x47: {  	_ =	swait.ge [sflag:s19], $0x2800  }
0x48: {  	[sflag:s19] =	ssyncset.done $0x0  }
0x49: {  	s2 =	sadd.s32 $0x27D0, s0;
	[sflag:s19] =	ssyncadd.s32 $0xFFFFD800  }
0x4a: {  	[spmem:s1] =	stream.indirect.scatter.add.f32 [tilespmem:s15], [sflag:$0x4], $0x80, s2, s13, $0xb8;
	[tilespmem:$0x1FF80] =	vst v63  }
0x4b: {  	_ =	swait.ge [sflag:s9], $0x2800  }
0x4c: {  	[sflag:s9] =	ssyncset.done $0x0  }
0x4d: {  	s2 =	sadd.s32 $0x140, s0;
	[sflag:s9] =	ssyncadd.s32 $0xFFFFD800  }
0x4e: {  	[tilespmem:s15], [sflag:$0x2] =	stream.indirect.gather [hbm4b:s4+s13], $0x80, s2, s13, $0xb8;
	[tilespmem:$0x1FF80] =	vst v63  }
0x4f: {  	_ =	swait.ge [sflag:s20], $0x2800  }
0x50: {  	[sflag:s20] =	ssyncset.done $0x0  }
.Ltmp0:
0x51: {  	s2 =	sadd.s32 $0x2820, s0;
	[sflag:s20] =	ssyncadd.s32 $0xFFFFD800;
	(pc) =	sbr.rel @p1 .LBB2_2-.Ltmp0, $4  }
0x52: {  	[spmem:s1] =	stream.indirect.scatter.add.f32 [tilespmem:s17], [sflag:$0x4], $0x80, s2, s13, $0xb8;
	[tilespmem:$0x1FF80] =	vst v63  }
0x53: {  	_ =	swait.ge [sflag:s9], $0x2800  }
0x54: {  	[sflag:s9] =	ssyncset.done $0x0  }
0x55: {  	s0 =	sadd.s32 $0x190, s0;
	[sflag:s9] =	ssyncadd.s32 $0xFFFFD800  }
0x56: {  	[tilespmem:s17], [sflag:$0x3] =	stream.indirect.gather [hbm4b:s4+s13], $0x80, s0, s13, $0xb8;
	[tilespmem:$0x1FF80] =	vst v63  }
0x57: {  	_ =	swait.ge [sflag:s18], $0x2800  }
0x58: {  	[sflag:s18] =	ssyncset.done $0x0  }
0x59: {  	[sflag:s18] =	ssyncadd.s32 $0xFFFFD800  }
0x5a: {  	[spmem:s1] =	stream.indirect.scatter.add.f32 [tilespmem:s14], [sflag:$0x4], $0x80, s21, s13, $0xb8;
	[tilespmem:$0x1FF80] =	vst v63  }
0x5b: {  	_ =	swait.ge [sflag:s9], $0x2800  }
0x5c: {  	[sflag:s9] =	ssyncset.done $0x0  }
0x5d: {  	[sflag:s9] =	ssyncadd.s32 $0xFFFFD800  }
0x5e: {  	[tilespmem:s14], [sflag:$0x1] =	stream.indirect.gather [hbm4b:s4+s13], $0x80, s22, s13, $0xb8;
	[tilespmem:$0x1FF80] =	vst v63  }
0x5f: {  	_ =	swait.ge [sflag:s19], $0x2800  }
0x60: {  	[sflag:s19] =	ssyncset.done $0x0  }
0x61: {  	[sflag:s19] =	ssyncadd.s32 $0xFFFFD800  }
0x62: {  	[spmem:s1] =	stream.indirect.scatter.add.f32 [tilespmem:s15], [sflag:$0x4], $0x80, s23, s13, $0xb8;
	[tilespmem:$0x1FF80] =	vst v63  }
0x63: {  	_ =	swait.ge [sflag:s9], $0x2800  }
0x64: {  	[sflag:s9] =	ssyncset.done $0x0  }
0x65: {  	[sflag:s9] =	ssyncadd.s32 $0xFFFFD800  }
0x66: {  	[tilespmem:s15], [sflag:$0x2] =	stream.indirect.gather [hbm4b:s4+s13], $0x80, s25, s13, $0xb8;
	[tilespmem:$0x1FF80] =	vst v63  }
0x67: {  	_ =	swait.ge [sflag:s20], $0x2800  }
0x68: {  	[sflag:s20] =	ssyncset.done $0x0  }
0x69: {  	[sflag:s20] =	ssyncadd.s32 $0xFFFFD800  }
0x6a: {  	[spmem:s1] =	stream.indirect.scatter.add.f32 [tilespmem:s17], [sflag:$0x4], $0x80, s26, s13, $0xb8;
	[tilespmem:$0x1FF80] =	vst v63  }
0x6b: {  	_ =	swait.ge [sflag:s9], $0x2800  }
0x6c: {  	[sflag:s9] =	ssyncset.done $0x0  }
0x6d: {  	[sflag:s9] =	ssyncadd.s32 $0xFFFFD800  }
0x6e: {  	_ =	swait.ge [sflag:s18], $0x2800  }
0x6f: {  	[sflag:s18] =	ssyncset.done $0x0  }
0x70: {  	[sflag:s18] =	ssyncadd.s32 $0xFFFFD800  }
0x71: {  	[spmem:s1] =	stream.indirect.scatter.add.f32 [tilespmem:s14], [sflag:$0x4], $0x80, s28, s13, $0xb8;
	[tilespmem:$0x1FF80] =	vst v63  }
0x72: {  	_ =	swait.ge [sflag:s9], $0x2800  }
0x73: {  	[sflag:s9] =	ssyncset.done $0x0  }
0x74: {  	[sflag:s9] =	ssyncadd.s32 $0xFFFFD800  }
0x75: {  	_ =	swait.ge [sflag:s19], $0x2800  }
0x76: {  	[sflag:s19] =	ssyncset.done $0x0  }
0x77: {  	[sflag:s19] =	ssyncadd.s32 $0xFFFFD800  }
0x78: {  	[spmem:s1] =	stream.indirect.scatter.add.f32 [tilespmem:s15], [sflag:$0x4], $0x80, s29, s13, $0xb8;
	[tilespmem:$0x1FF80] =	vst v63  }
0x79: {  	_ =	swait.ge [sflag:s9], $0x2800  }
0x7a: {  	s30 =	sadd.s32 $0x1, s30;
	[sflag:s9] =	ssyncset.done $0x0  }
0x7b: {  	p1 =	sne.s32 s30, s8;
	[sflag:s9] =	ssyncadd.s32 $0xFFFFD800  }
.Ltmp1:
0x7c: {  	s0 =	simm.s32 @!p0 $0x4;
	[bflag:$0x0] =	sbarrier.arrive $0xFFFF;
	(pc) =	sbr.rel @p1 .LBB2_1-.Ltmp1, $4  }
0x7d: {  	[hbm:s24], [sflag:s11] =	dma.local @!p0 [spmem:s12], $0x7D00  }
0x7e: {  	_ =	swait.ge @!p0 [sflag:s0], $0x7D00  }
0x7f: {  	[sflag:s0] =	ssyncset.done @!p0 $0x0  }
0x80: {  	[sflag:s0] =	ssyncadd.s32 @!p0 $0xFFFF8300  }
0x81: {  	_ =	sfence.sel $0x180000  }
0x82: {  	[bflag:$0x0] =	sbarrier.arrive $0xFFFF  }
0x83: {  	_ =	strace $0x9000004D  }
0x84: {  	s0 =	stileid.u32;
	[bflag:$0x2] =	sbarrier.arrive $0xFFFF  }
0x85: {  	p0 =	sne.s32 s0, $0x0;
	s0 =	rddreg [dreg:$0x3]  }
0x86: {  	s0 =	sadd.s32 @!p0 $0x100000, s0  }
0x87: {  	[sflag:s0] =	ssyncadd.tile.s32 @!p0 $0x1;
	_ =	shalt  }
.Lfunc_end2:
_tile_overlayer_lowered:
.L_overlay_start_2:
0x88: {  	(tag) =	ssettag $0x2  }
0x89: {  	s0 =	rddreg [dreg:$0x0];
	s2 =	stileid.u32  }
0x8a: {  	s1 =	rddreg [dreg:$0x1];
	p0 =	sne.s32 s2, $0x0  }
0x8b: {  	s3 =	rddreg [dreg:$0x2];
	[bflag:$0x3] =	sbarrier.arrive $0xFFFF;
	s2 =	simm.s32 @!p0 $0x1C04  }
0x8c: {  	[timem:s3], [sflag:s2] =	dma.local @!p0 [hbm:s0], s1  }
0x8d: {  	s0 =	simm.s32 @!p0 $0x4  }
0x8e: {  	_ =	swait.ge @!p0 [sflag:s0], s1  }
0x8f: {  	s1 =	ssub.s32 @!p0 $0x0, s1;
	[sflag:s0] =	ssyncset.done @!p0 $0x0  }
0x90: {  	[sflag:s0] =	ssyncadd.s32 @!p0 s1  }
0x91: {  	[bflag:$0x3] =	sbarrier.arrive $0xFFFF  }
0x92: {  	_ =	shalt  }

// kernel: kernel.8.cloned.1.call-start
scs
__scs_entry_jumppad:
0x0: {  	(pc) =	sbr.rel $0x88, $3  }
0x1: {  	(tag) =	ssettag $0x0;
	lr =	simm.s32 $0x1  }
0x2: {  	[smem:$0x3F99] =	sst lr;
	_ =	strace $0xD0000000  }
0x3: {  	_ = 	snop  }
0x4: {  	_ = 	snop  }
0x5: {  	_ = 	snop  }
0x6: {  	_ = 	snop  }
0x7: {  	_ = 	snop  }
__scs_overlays_trampoline_lowered:
0x8: {  	[smem:$0x3FA8] =	sst s0  }
0x9: {  	[smem:$0x3FA9] =	sst s1  }
0xa: {  	[smem:$0x3FAA] =	sst s2  }
0xb: {  	[smem:$0x3FAB] =	sst s3  }
0xc: {  	[smem:$0x3FAC] =	sst s4  }
0xd: {  	[smem:$0x3FAD] =	sst s5  }
0xe: {  	[smem:$0x3FAE] =	sst s6  }
0xf: {  	[smem:$0x3FAF] =	sst s7  }
0x10: {  	[smem:$0x3FB0] =	sst s8  }
0x11: {  	[smem:$0x3FB1] =	sst s9;
	s0 =	simm.s32 @!p0 $0x0  }
0x12: {  	s1 =	sld [smem:$0x3F97];
	s0 =	simm.s32 @p0 $0x1  }
0x13: {  	[smem:$0x3FB2] =	sst s0;
	s0 =	simm.s32 @!p1 $0x0  }
0x14: {  	s2 =	sld [smem:$0x3F96];
	s0 =	simm.s32 @p1 $0x1  }
0x15: {  	[smem:$0x3FB3] =	sst s0;
	s0 =	simm.s32 @!p2 $0x0  }
0x16: {  	s3 =	sld [smem:$0x3FDB];
	s0 =	simm.s32 @p2 $0x1  }
0x17: {  	s4 =	simm.s32 $0x1BF5;
	[smem:$0x3FB5] =	sst s0  }
0x18: {  	s0 =	sld [smem:$0x3F98];
	_ =	swait.ge [sflag:s4], $0x0  }
0x19: {  	s7 =	sld [smem:$0x3F99]  }
0x1a: {  	s8 =	sadd.s32 $0xFFFFE003, lr  }
0x1b: {  	s9 =	sadd.s32 $0xFFFFFEF7, lr;
	s5 =	simm.s32 $0xFFFFFFFF;
	p2 =	slt.u32 s8, $0xFFFFF086  }
0x1c: {  	p1 =	slt.u32 s9, $0xF7A;
	s5 =	simm.s32 @!p2 $0x0  }
0x1d: {  	s5 =	simm.s32 @p1 $0x1;
	p0 =	seq.s32 s7, s2  }
0x1e: {  	s7 =	smul.u32 @!p0 $0xF7A, s2;
	p2 =	seq.s32 @!p0 s5, $0x0  }
0x1f: {  	s9 =	smul.u32 $0xF7A, s1;
	s8 =	simm.s32 @!p0 $0x1BF5;
	p2 =	por !p2, p0  }
0x20: {  	[sflag:s8] =	ssyncset.s32 @!p0 $0xFFFFF086;
	s6 =	sadd.s32 @!p0 s3, s7;
	s7 =	simm.s32 @!p0 $0x108  }
0x21: {  	s3 =	sadd.s32 s3, s9;
	s6 =	sadd.s32 @!p0 $0x88, s6;
	s7 =	simm.s32 @p2 $0x1082  }
0x22: {  	[simem:s7], [sflag:s8] =	dma.local @!p0 [hbm:s6], $0xF7A  }
0x23: {  	s9 =	sor.u32 $0xD0000000, s2;
	s6 =	simm.s32 $0x108;
	_ =	swait.ge @!p0 [sflag:s8], $0x0  }
0x24: {  	s3 =	sadd.s32 $0x88, s3;
	s6 =	simm.s32 @!p1 $0x1082;
	[sflag:s4] =	ssyncset.s32 $0xFFFFF086  }
0x25: {  	[simem:s6], [sflag:s4] =	dma.local [hbm:s3], $0xF7A  }
0x26: {  	[smem:$0x3F99] =	sst s1;
	(tag) =	ssettag s2;
	_ =	strace s9  }
0x27: {  	s1 =	sld [smem:$0x3FA9]  }
0x28: {  	s2 =	sld [smem:$0x3FAA]  }
0x29: {  	s4 =	sld [smem:$0x3FAC]  }
0x2a: {  	p0 =	seq.s32 s5, $0x0;
	s5 =	sld [smem:$0x3FAD]  }
0x2b: {  	s6 =	sld [smem:$0x3FAE]  }
0x2c: {  	s7 =	sld [smem:$0x3FAF]  }
0x2d: {  	s3 =	simm.s32 $0x108;
	s8 =	sld [smem:$0x3FB0]  }
0x2e: {  	s3 =	simm.s32 @!p0 $0x1082;
	s9 =	sld [smem:$0x3FB1]  }
0x2f: {  	lr =	sadd.s32 s0, s3;
	s0 =	sld [smem:$0x3FA8]  }
0x30: {  	s3 =	sld [smem:$0x3FAB]  }
0x31: {  	[smem:$0x3FB4] =	sst s10  }
0x32: {  	s10 =	sld [smem:$0x3FB2];
	_ =	sdelay $0x3  }
0x33: {  	p0 =	seq.s32 s10, $0x1;
	s10 =	sld [smem:$0x3FB4];
	_ =	sdelay $0x3  }
0x34: {  	[smem:$0x3FB4] =	sst s10  }
0x35: {  	s10 =	sld [smem:$0x3FB3];
	_ =	sdelay $0x3  }
0x36: {  	p1 =	seq.s32 s10, $0x1;
	s10 =	sld [smem:$0x3FB4];
	_ =	sdelay $0x3  }
0x37: {  	[smem:$0x3FB4] =	sst s10  }
0x38: {  	s10 =	sld [smem:$0x3FB5]  }
0x39: {  	_ = 	snop;
	(pc) =	sbr.ind lr, $3  }
0x3a: {  	_ = 	snop  }
0x3b: {  	_ = 	snop  }
0x3c: {  	p2 =	seq.s32 s10, $0x1;
	s10 =	sld [smem:$0x3FB4]  }
0x3d: {  	_ =	shalt  }
0x3e: {  	_ =	shalt  }
0x3f: {  	_ =	shalt  }
0x40: {  	_ =	shalt  }
0x41: {  	_ =	shalt  }
0x42: {  	_ =	shalt  }
0x43: {  	_ =	shalt  }
0x44: {  	_ =	shalt  }
0x45: {  	_ =	shalt  }
0x46: {  	_ =	shalt  }
0x47: {  	_ =	shalt  }
0x48: {  	_ =	shalt  }
0x49: {  	_ =	shalt  }
0x4a: {  	_ =	shalt  }
0x4b: {  	_ =	shalt  }
0x4c: {  	_ =	shalt  }
0x4d: {  	_ =	shalt  }
0x4e: {  	_ =	shalt  }
0x4f: {  	_ =	shalt  }
0x50: {  	_ =	shalt  }
0x51: {  	_ =	shalt  }
0x52: {  	_ =	shalt  }
0x53: {  	_ =	shalt  }
0x54: {  	_ =	shalt  }
0x55: {  	_ =	shalt  }
0x56: {  	_ =	shalt  }
0x57: {  	_ =	shalt  }
0x58: {  	_ =	shalt  }
0x59: {  	_ =	shalt  }
0x5a: {  	_ =	shalt  }
0x5b: {  	_ =	shalt  }
0x5c: {  	_ =	shalt  }
0x5d: {  	_ =	shalt  }
0x5e: {  	_ =	shalt  }
0x5f: {  	_ =	shalt  }
0x60: {  	_ =	shalt  }
0x61: {  	_ =	shalt  }
0x62: {  	_ =	shalt  }
0x63: {  	_ =	shalt  }
0x64: {  	_ =	shalt  }
0x65: {  	_ =	shalt  }
0x66: {  	_ =	shalt  }
0x67: {  	_ =	shalt  }
0x68: {  	_ =	shalt  }
0x69: {  	_ =	shalt  }
0x6a: {  	_ =	shalt  }
0x6b: {  	_ =	shalt  }
0x6c: {  	_ =	shalt  }
0x6d: {  	_ =	shalt  }
0x6e: {  	_ =	shalt  }
0x6f: {  	_ =	shalt  }
0x70: {  	_ =	shalt  }
0x71: {  	_ =	shalt  }
0x72: {  	_ =	shalt  }
0x73: {  	_ =	shalt  }
0x74: {  	_ =	shalt  }
0x75: {  	_ =	shalt  }
0x76: {  	_ =	shalt  }
0x77: {  	_ =	shalt  }
0x78: {  	_ =	shalt  }
0x79: {  	_ =	shalt  }
0x7a: {  	_ =	shalt  }
0x7b: {  	_ =	shalt  }
0x7c: {  	_ =	shalt  }
0x7d: {  	_ =	shalt  }
0x7e: {  	_ =	shalt  }
0x7f: {  	_ =	shalt  }
0x80: {  	_ =	shalt  }
0x81: {  	_ =	shalt  }
0x82: {  	_ =	shalt  }
0x83: {  	_ =	shalt  }
0x84: {  	_ =	shalt  }
0x85: {  	_ =	shalt  }
0x86: {  	_ =	shalt  }
0x87: {  	_ =	shalt  }
.Lfunc_end0:
.L_simem_size_0:
called_computation_lowered:
.L_overlay_start_0:
0x88: {  	s2 =	sld [smem:$0x3FD9]  }
0x89: {  	s3 =	sld [smem:$0x3FFE];
	_ =	sdelay $0x1  }
0x8a: {  	s1 =	srdreg.scid  }
0x8b: {  	s0 =	sand.u32 $0x1, s1  }
0x8c: {  	s16 =	sshll.u32 s0, $0xA;
	s2 =	sadd.s32 s3, s2  }
0x8d: {  	s2 =	sadd.s32 s2, s16  }
0x8e: {  	[smem:$0x3FC0] =	sst s2  }
0x8f: {  	_ = 	snop  }
0x90: {  	(tm) =	ssettm $0x1  }
0x91: {  	s17 =	sld [smem:$0x3FFB];
	_ =	sdelay $0x3  }
0x92: {  	_ =	strace s17  }
0x93: {  	s2 =	sld [smem:$0x3FFC];
	_ =	sdelay $0x3  }
0x94: {  	_ =	strace s2  }
0x95: {  	s2 =	sld [smem:$0x3FFD];
	_ =	sdelay $0x3  }
0x96: {  	_ =	strace s2  }
0x97: {  	_ =	strace $0x8FFFFFFF  }
0x98: {  	s18 =	sld [smem:$0x3FDB];
	_ =	sdelay $0x1  }
0x99: {  	s19 =	simm.s32 $_scs_section_size  }
0x9a: {  	s4 =	simm.s32 $_size__tile_overlayer_lowered;
	s5 =	simm.s32 $_tile_overlayer_lowered  }
0x9b: {  	s22 =	simm.s32 $0x1BFF;
	s21 =	sshll.u32 s5, $0x1;
	s2 =	sadd.s32 s19, s18  }
0x9c: {  	s6 =	simm.s32 $0x0;
	s20 =	sshll.u32 s4, $0x1;
	s4 =	sadd.s32 s21, s2  }
0x9d: {  	[timem:s6], [sflag:s22] =	dma.local [hbm:s4], s20  }
0x9e: {  	_ =	swait.ge [sflag:s22], s20  }
0x9f: {  	s3 =	ssub.s32 $0x0, s20;
	[sflag:s22] =	ssyncset.done $0x0  }
0xa0: {  	[sflag:s22] =	ssyncadd.s32 s3;
	_ =	sdelay $0x1  }
0xa1: {  	s23 =	simm.s32 $0x1B8B  }
0xa2: {  	_ =	swait.ge [sflag:s23], $0x1  }
0xa3: {  	[sflag:s23] =	ssyncset.done $0x0  }
0xa4: {  	s25 =	simm.s32 $0x1B8E;
	s24 =	sld [smem:$0x3FFE];
	[sflag:s23] =	ssyncadd.s32 $0xFFFFFFFF  }
0xa5: {  	s26 =	simm.s32 $execute0_lowered;
	[smem:$0x3FD2] =	sst s25  }
0xa6: {  	s4 =	sshll.u32 s26, $0x1;
	_ =	strace $0x80000046;
	[dreg:$0x1] =	wrdreg $0xFFFFFFFF  }
0xa7: {  	s28 =	simm.s32 $_size_execute0_lowered;
	s2 =	sadd.s32 s2, s4;
	[dreg:$0x0] =	wrdreg $0x0  }
0xa8: {  	s4 =	sshll.u32 s28, $0x1;
	[dreg:$0x2] =	wrdreg s2  }
0xa9: {  	[dreg:$0x3] =	wrdreg s4  }
0xaa: {  	[dreg:$0x4] =	wrdreg $0xC0  }
0xab: {  	_ =	task [dreg:s6], $0x5FFFF  }
0xac: {  	[dreg:$0x1] =	wrdreg $0xFFFFFFFF  }
0xad: {  	[dreg:$0x0] =	wrdreg $0x60  }
0xae: {  	[dreg:$0x2] =	wrdreg s24  }
0xaf: {  	[dreg:$0x3] =	wrdreg $0x50000  }
0xb0: {  	[dreg:$0x4] =	wrdreg $0x9  }
0xb1: {  	_ =	task.clear_ibuf [dreg:s6], $0x5FFFF;
	_ =	strace $0x90000046  }
0xb2: {  	s29 =	simm.s32 $0x9;
	_ =	strace $0x80000048  }
0xb3: {  	_ =	swait.ge [sflag:s29], $0x1  }
0xb4: {  	[sflag:s29] =	ssyncadd.s32 $0xFFFFFFFF  }
0xb5: {  	_ =	strace $0x90000048  }
0xb6: {  	_ =	sfence  }
0xb7: {  	s30 =	sld [smem:$0x0];
	_ =	sdelay $0x2  }
0xb8: {  	s31 =	sshll.u32 s1, $0xD;
	s1 =	sshrl.u32 s1, $0x2  }
0xb9: {  	s3 =	sand.u32 $0x4000, s31;
	s1 =	sadd.s32 s1, s30  }
0xba: {  	s0 =	sor.u32 s3, s0;
	s1 =	sshll.u32 s1, $0x11  }
0xbb: {  	s0 =	sor.u32 s1, s0  }
0xbc: {  	s0 =	sadd.s32 $0x8F2B, s0  }
0xbd: {  	[sflag:s0] =	ssyncadd.remote.s32 $0x1  }
0xbe: {  	_ =	sfence.sel $0xFFFF  }
0xbf: {  	[dreg:$0x0] =	wrdreg $0xFFFFFFFF;
	(pc) =	sbr.abs _section_cstart, $3  }
0xc0: {  	[dreg:$0x1] =	wrdreg $0xFFFFFFFF  }
0xc1: {  	_ =	task.clear_ibuf [dreg:s6], $0x2FFFF;
	_ =	strace $0x9FFFFFFF  }
0xc2: {  	(tm) =	ssettm $0x7FFFFFFF  }
0xc3: {  	_ =	shalt  }
tec
execute0_lowered:
.L_overlay_start_1:
0x0: {  	(tag) =	ssettag $0x1  }
0x1: {  	s0 =	srdreg.scid;
	s5 =	rddreg [dreg:$0x0]  }
0x2: {  	s8 =	stileid.u32;
	s1 =	rddreg [dreg:$0x1]  }
0x3: {  	s2 =	simm.s32 $0x0;
	s12 =	simm.s32 $0x50;
	s13 =	simm.s32 $0x0  }
0x4: {  	s3 =	sand.u32 $0x1, s0;
	s6 =	smul.u32 $0x2710, s8;
	s0 =	rddreg [dreg:$0x2]  }
0x5: {  	[smem:$0x7FF] =	sst s2;
	p0 =	sne.s32 s8, $0x0;
	s4 =	smul.u32 $0x27100, s3  }
0x6: {  	s8 =	simm.s32 $0x2800;
	_ =	strace $0x80000047;
	s7 =	smul.u32 $0x500, s3  }
0x7: {  	s9 =	ssub.s32 $0x2, s3;
	s3 =	sadd.s32 $0xC600, s5;
	s11 =	sshrl.u32 @!p0 s1, $0x3  }
0x8: {  	s10 =	sshrl.u32 s9, $0x1;
	s4 =	sadd.s32 s6, s4;
	s7 =	sadd.s32 s7, s5  }
0x9: {  	s9 =	ssub.s32 s9, s10;
	s10 =	simm.s32 $0x2780;
	s4 =	sshrl.u32 s4, $0x3  }
0xa: {  	s6 =	sadd.s32 $0xCE00, s7;
	s7 =	smax.u32 s9, $0x1;
	s31 =	sadd.s32 s4, s5  }
0xb: {  	v0 =	vimm.f32 $1.000000000e+00;
	s9 =	simm.s32 $0x1;
	s4 =	sadd.s32 $0xC800, s5;
	s5 =	sadd.s32 $0x2800, s31  }
.LBB2_1:
0xc: {  	[tilespmem:s8], [sflag:$0x1] =	stream.linear.gather [hbm4b:s4+s2], $0x2800, $0x38;
	[tilespmem:$0x5280] =	vst v63  }
0xd: {  	_ =	swait.ge [sflag:s9], $0x2800  }
0xe: {  	[sflag:s9] =	ssyncset.done $0x0  }
0xf: {  	[sflag:s9] =	ssyncadd.s32 $0xFFFFD800  }
0x10: {  	[tilespmem:s10], [sflag:$0x1] =	stream.linear.gather [hbm4b:s3+s2], $0x80, $0x38;
	[tilespmem:$0x5280] =	vst v63  }
0x11: {  	_ =	swait.ge [sflag:s9], $0x80  }
0x12: {  	[sflag:s9] =	ssyncset.done $0x0  }
0x13: {  	[sflag:s9] =	ssyncadd.s32 $0xFFFFFF80  }
0x14: {  	[tilespmem:s2], [sflag:$0x1] =	stream.linear.gather [hbm4b:s5+s2], $0x2710, $0x38;
	[tilespmem:$0x5280] =	vst v63  }
0x15: {  	_ =	swait.ge [sflag:s9], $0x2710  }
0x16: {  	[sflag:s9] =	ssyncset.done $0x0  }
0x17: {  	s14 =	simm.s32 @!p0 $0x1C01;
	[sflag:s9] =	ssyncadd.s32 $0xFFFFD8F0  }
0x18: {  	[spmem:s11], [sflag:s14] =	dma.local @!p0 [hbm:s4], $0x500  }
0x19: {  	s14 =	simm.s32 @!p0 $0x1  }
0x1a: {  	_ =	swait.ge @!p0 [sflag:s14], $0x500  }
0x1b: {  	[sflag:s14] =	ssyncset.done @!p0 $0x0  }
0x1c: {  	[sflag:s14] =	ssyncadd.s32 @!p0 $0xFFFFFB00  }
0x1d: {  	s15 =	simm.s32 $0x0;
	s14 =	simm.s32 $0x40;
	[bflag:$0x0] =	sbarrier.arrive $0xFFFF  }
.LBB2_2:
0x1e: {  	p1 =	sne.s32 s14, $0x9C00;
	v1 =	vld [tilespmem:s15+$0x0];
	_ =	sdelay $0x3  }
.Ltmp0:
0x1f: {  	(pc) =	sbr.rel @p1 .LBB2_2-.Ltmp0, $2  }
0x20: {  	_ =	sdelay $0x2  }
0x21: {  	s15 =	sshra.s32 s14, $0x2;
	s14 =	sadd.s32 $0x40, s14;
	[tilespmem:v1+s8+$0x0] =	vst.idx.add.f32.msk $0xffff, v0  }
0x22: {  	v1 =	vld [tilespmem:s15+$0x0];
	_ =	sdelay $0x7  }
0x23: {  	[tilespmem:v1+s8+$0x0] =	vst.idx.add.f32.msk $0xffff, v0  }
0x24: {  	[spmem:s1] =	stream.indirect.scatter.add.f32 [tilespmem:s8], [sflag:$0x1], $0x80, s10, s12, $0xb8;
	[tilespmem:$0x5280] =	vst v63  }
0x25: {  	_ =	swait.ge [sflag:s9], $0x2800  }
0x26: {  	[sflag:s9] =	ssyncset.done $0x0  }
0x27: {  	s13 =	sadd.s32 $0x1, s13;
	[sflag:s9] =	ssyncadd.s32 $0xFFFFD800  }
0x28: {  	s14 =	simm.s32 @!p0 $0x1C01;
	p1 =	sne.s32 s13, s7;
	[bflag:$0x0] =	sbarrier.arrive $0xFFFF  }
0x29: {  	[hbm:s6], [sflag:s14] =	dma.local @!p0 [spmem:s11], $0x500  }
.Ltmp1:
0x2a: {  	_ = 	snop;
	(pc) =	sbr.rel @p1 .LBB2_1-.Ltmp1, $4  }
0x2b: {  	s14 =	simm.s32 @!p0 $0x1  }
0x2c: {  	_ =	swait.ge @!p0 [sflag:s14], $0x500  }
0x2d: {  	[sflag:s14] =	ssyncset.done @!p0 $0x0  }
0x2e: {  	[sflag:s14] =	ssyncadd.s32 @!p0 $0xFFFFFB00  }
0x2f: {  	_ =	sfence.sel $0x180000  }
0x30: {  	[bflag:$0x0] =	sbarrier.arrive $0xFFFF  }
0x31: {  	_ =	strace $0x90000047  }
0x32: {  	s0 =	sadd.s32 @!p0 $0x100000, s0;
	[bflag:$0x2] =	sbarrier.arrive $0xFFFF  }
0x33: {  	[sflag:s0] =	ssyncadd.tile.s32 @!p0 $0x1;
	_ =	shalt  }
.Lfunc_end2:
_tile_overlayer_lowered:
.L_overlay_start_2:
0x34: {  	(tag) =	ssettag $0x2  }
0x35: {  	s0 =	rddreg [dreg:$0x0];
	s2 =	stileid.u32  }
0x36: {  	s1 =	rddreg [dreg:$0x1];
	p0 =	sne.s32 s2, $0x0  }
0x37: {  	s3 =	rddreg [dreg:$0x2];
	[bflag:$0x3] =	sbarrier.arrive $0xFFFF;
	s2 =	simm.s32 @!p0 $0x1C01  }
0x38: {  	[timem:s3], [sflag:s2] =	dma.local @!p0 [hbm:s0], s1  }
0x39: {  	s0 =	simm.s32 @!p0 $0x1  }
0x3a: {  	_ =	swait.ge @!p0 [sflag:s0], s1  }
0x3b: {  	s1 =	ssub.s32 @!p0 $0x0, s1;
	[sflag:s0] =	ssyncset.done @!p0 $0x0  }
0x3c: {  	[sflag:s0] =	ssyncadd.s32 @!p0 s1  }
0x3d: {  	[bflag:$0x3] =	sbarrier.arrive $0xFFFF  }
0x3e: {  	_ =	shalt  }

</sc_bundles>
